<compile_context>
chip_gen: v7x
topology: tpu7x:2x2x1
jax: 0.10.2.dev20260603
libtpu: 0.0.44.dev20260713+nightly
codegen_flags: <defaults>
</compile_context>

<pallas_src>
import functools

import jax
import jax.numpy as jnp
from jax import lax
from jax.experimental import pallas as pl
from jax.experimental.pallas import tpu as pltpu
from jax.experimental.pallas import tpu_sc as plsc

MEM_DIM = 128
EMB_DIM = 128
NW = 32
CH = 128
NBUF = 4


def _sc_gather(memory, src, pos_dst, neg_dst):
    b = src.shape[0]
    d = memory.shape[1]
    nrows = 3 * b
    per_sec = b // NW
    sec_ch = per_sec // CH
    n_ch = 3 * sec_ch
    mesh = plsc.VectorSubcoreMesh(core_axis_name="c", subcore_axis_name="s")

    @functools.partial(
        pl.kernel,
        mesh=mesh,
        out_type=jax.ShapeDtypeStruct((nrows, d), jnp.float32),
        scratch_types=[
            pltpu.VMEM((n_ch, CH), jnp.int32),
            *[pltpu.VMEM((CH, d), jnp.float32) for _ in range(NBUF)],
            *[pltpu.SemaphoreType.DMA for _ in range(2 * NBUF)],
        ],
    )
    def gather_k(table_hbm, src_hbm, pos_hbm, neg_hbm, out_hbm, idx_v, *rest):
        bufs = rest[:NBUF]
        sems_g = rest[NBUF:2 * NBUF]
        sems_w = rest[2 * NBUF:]
        wid = lax.axis_index("s") * 2 + lax.axis_index("c")

        idx_srcs = (src_hbm, pos_hbm, neg_hbm)
        def out_off(i):
            sec, c = divmod(i, sec_ch)
            return sec * b + wid * per_sec + c * CH

        for sec in range(3):
            for c in range(sec_ch):
                pltpu.sync_copy(
                    idx_srcs[sec].at[pl.ds(wid * per_sec + c * CH, CH)],
                    idx_v.at[sec * sec_ch + c])

        g_desc = [None] * NBUF
        w_desc = [None] * NBUF

        def start_gather(i):
            s = i % NBUF
            g_desc[s] = pltpu.async_copy(
                table_hbm.at[idx_v.at[i]], bufs[s], sems_g[s])

        def drain(i):
            s = i % NBUF
            g_desc[s].wait()
            w_desc[s] = pltpu.async_copy(
                bufs[s], out_hbm.at[pl.ds(out_off(i), CH)], sems_w[s])

        look = NBUF - 1
        for i in range(n_ch):
            s = i % NBUF
            if i >= NBUF:
                w_desc[s].wait()
            start_gather(i)
            if i - look >= 0:
                drain(i - look)
        for j in range(max(0, n_ch - look), n_ch):
            drain(j)
        for j in range(max(0, n_ch - NBUF), n_ch):
            w_desc[j % NBUF].wait()

    return gather_k(memory, src, pos_dst, neg_dst)


def _tc_dense(gathered, t, w_time, b_time, W_emb, b_emb, W1, b1, W2, b2,
              interpret=False):
    b = t.shape[0]
    blk = 2048
    nblk = b // blk
    t2 = t.reshape(nblk, 1, blk)

    def body(t_ref, gs_ref, gp_ref, gn_ref, wt_ref, bt_ref, we_ref, be_ref,
             w1_ref, b1_ref, w2_ref, b2_ref, pos_ref, neg_ref,
             m1_ref, m2_ref, wtt_ref, bb_ref):
        @pl.when(pl.program_id(0) == 0)
        def _fold():
            A = we_ref[:MEM_DIM, :]
            C = we_ref[MEM_DIM:, :]
            W1a = w1_ref[:EMB_DIM, :]
            W1b = w1_ref[EMB_DIM:, :]
            W1s = W1a + W1b
            m1_ref[...] = jnp.dot(A, W1a, preferred_element_type=jnp.float32)
            m2_ref[...] = jnp.dot(A, W1b, preferred_element_type=jnp.float32)
            wtt_ref[...] = jnp.dot(C, W1s, preferred_element_type=jnp.float32)
            bb_ref[...] = jnp.dot(be_ref[...], W1s,
                                  preferred_element_type=jnp.float32) \
                + b1_ref[...]

        tb = t_ref[0, 0, :]
        tenc_t = jnp.cos(wt_ref[0, :][:, None] * tb[None, :]
                         + bt_ref[0, :][:, None])
        base = jax.lax.dot_general(
            tenc_t, wtt_ref[...],
            dimension_numbers=(((0,), (0,)), ((), ())),
            preferred_element_type=jnp.float32) + bb_ref[...]
        gsm = jnp.dot(gs_ref[...], m1_ref[...],
                      preferred_element_type=jnp.float32) + base
        hp = jnp.maximum(gsm + jnp.dot(gp_ref[...], m2_ref[...],
                                       preferred_element_type=jnp.float32), 0.)
        hn = jnp.maximum(gsm + jnp.dot(gn_ref[...], m2_ref[...],
                                       preferred_element_type=jnp.float32), 0.)
        pos_ref[...] = jax.lax.dot_general(
            w2_ref[...], hp, dimension_numbers=(((0,), (1,)), ((), ())),
            preferred_element_type=jnp.float32) + b2_ref[...]
        neg_ref[...] = jax.lax.dot_general(
            w2_ref[...], hn, dimension_numbers=(((0,), (1,)), ((), ())),
            preferred_element_type=jnp.float32) + b2_ref[...]

    full = lambda shape: pl.BlockSpec(shape, lambda i: tuple(0 for _ in shape))
    pos_t, neg_t = pl.pallas_call(
        body,
        grid=(nblk,),
        in_specs=[
            pl.BlockSpec((1, 1, blk), lambda i: (i, 0, 0)),
            pl.BlockSpec((blk, MEM_DIM), lambda i: (i, 0)),
            pl.BlockSpec((blk, MEM_DIM), lambda i: (i + nblk, 0)),
            pl.BlockSpec((blk, MEM_DIM), lambda i: (i + 2 * nblk, 0)),
            full(w_time.shape),
            full((1, b_time.shape[0])),
            full(W_emb.shape),
            full((1, b_emb.shape[0])),
            full(W1.shape),
            full((1, b1.shape[0])),
            full(W2.shape),
            full((1, 1)),
        ],
        out_specs=[
            pl.BlockSpec((1, blk), lambda i: (0, i)),
            pl.BlockSpec((1, blk), lambda i: (0, i)),
        ],
        out_shape=[
            jax.ShapeDtypeStruct((1, b), jnp.float32),
            jax.ShapeDtypeStruct((1, b), jnp.float32),
        ],
        scratch_shapes=[
            pltpu.VMEM((MEM_DIM, EMB_DIM), jnp.float32),
            pltpu.VMEM((MEM_DIM, EMB_DIM), jnp.float32),
            pltpu.VMEM((w_time.shape[1], EMB_DIM), jnp.float32),
            pltpu.VMEM((1, EMB_DIM), jnp.float32),
        ],
        interpret=interpret,
    )(t2, gathered, gathered, gathered, w_time, b_time.reshape(1, -1),
      W_emb, b_emb.reshape(1, -1), W1, b1.reshape(1, -1), W2,
      b2.reshape(1, 1))
    return pos_t.reshape(b, 1), neg_t.reshape(b, 1)


def kernel(src, pos_dst, neg_dst, t, raw_msg, memory, w_time, b_time,
           W_emb, b_emb, W1, b1, W2, b2):
    gathered = _sc_gather(memory, src.astype(jnp.int32),
                          pos_dst.astype(jnp.int32),
                          neg_dst.astype(jnp.int32))
    return _tc_dense(gathered, t, w_time, b_time, W_emb, b_emb, W1, b1, W2, b2)

# --- scband reference (transcript-rebuilt; emitter-appended) ---
"""Pipeline reference for scband-tgn-3255585210956 (READ-ONLY COPY).

The authoritative reference and input builder live on the scoring server;
editing this copy changes nothing except your own understanding.
"""

import jax, jax.numpy as jnp
import numpy as np

NUM_NODES = 100000
MEM_DIM = 128
TIME_DIM = 16
EMB_DIM = 128
MSG_DIM = 16
B = 16384


def setup_inputs(seed: int = 0) -> dict:
    key = jax.random.key(seed)
    ks = jax.random.split(key, 12)
    return {
        "src": jax.random.randint(ks[0], (B,), 0, NUM_NODES, dtype=jnp.int64) if jax.config.jax_enable_x64 else jax.random.randint(ks[0], (B,), 0, NUM_NODES).astype(jnp.int32),
        "pos_dst": jax.random.randint(ks[1], (B,), 0, NUM_NODES).astype(jnp.int32),
        "neg_dst": jax.random.randint(ks[2], (B,), 0, NUM_NODES).astype(jnp.int32),
        "t": jax.random.uniform(ks[3], (B,), dtype=jnp.float32),
        "raw_msg": jax.random.normal(ks[4], (B, MSG_DIM), dtype=jnp.float32),
        "memory": jax.random.normal(ks[5], (NUM_NODES, MEM_DIM), dtype=jnp.float32),
        "w_time": jax.random.normal(ks[6], (1, TIME_DIM), dtype=jnp.float32) * 0.1,
        "b_time": jnp.zeros((TIME_DIM,), dtype=jnp.float32),
        "W_emb": jax.random.normal(ks[7], (MEM_DIM + TIME_DIM, EMB_DIM), dtype=jnp.float32) * 0.05,
        "b_emb": jnp.zeros((EMB_DIM,), dtype=jnp.float32),
        "W1": jax.random.normal(ks[8], (2 * EMB_DIM, EMB_DIM), dtype=jnp.float32) * 0.05,
        "b1": jnp.zeros((EMB_DIM,), dtype=jnp.float32),
        "W2": jax.random.normal(ks[9], (EMB_DIM, 1), dtype=jnp.float32) * 0.05,
        "b2": jnp.zeros((1,), dtype=jnp.float32),
    }


def reference(src, pos_dst, neg_dst, t, raw_msg, memory, w_time, b_time, W_emb, b_emb, W1, b1, W2, b2):
    # TGN.forward with previous_events=None: no memory update on first call.
    # embedding_module(memory[idx], t): time-aware linear embedding.
    t_enc = jnp.cos(t[:, None] @ w_time + b_time)  # time_enc(t).cos(), [B, TIME_DIM]

    def embed(idx):
        mem_rows = jnp.take(memory, idx, axis=0)  # SparseCore gather [B, MEM_DIM]
        return jnp.concatenate([mem_rows, t_enc], axis=-1) @ W_emb + b_emb

    emb_src = embed(src)
    emb_pos_dst = embed(pos_dst)
    emb_neg_dst = embed(neg_dst)

    def link_pred(a, b):
        h = jnp.concatenate([a, b], axis=-1) @ W1 + b1
        h = jax.nn.relu(h)
        return h @ W2 + b2

    pos_out = link_pred(emb_src, emb_pos_dst)
    neg_out = link_pred(emb_src, emb_neg_dst)
    return (pos_out, neg_out)

if __name__ == "__main__":
    import jax
    _d = setup_inputs()
    print(jax.jit(kernel)(*tuple(_d.values())))

</pallas_src>

<mosaic_0001>
#map = affine_map<(d0, d1) -> (0, 0)>
#map1 = affine_map<(d0, d1) -> (0)>
module attributes {stable_mosaic.version = 14 : i64} {
  func.func @gather_k(%arg0: i32, %arg1: i32, %arg2: memref<100000x128xf32, #tpu.memory_space<hbm>>, %arg3: memref<16384xi32, #tpu.memory_space<hbm>>, %arg4: memref<16384xi32, #tpu.memory_space<hbm>>, %arg5: memref<16384xi32, #tpu.memory_space<hbm>>, %arg6: memref<49152x128xf32, #tpu.memory_space<hbm>>, %arg7: memref<12x128xi32, #tpu.memory_space<vmem>>, %arg8: memref<128x128xf32, #tpu.memory_space<vmem>>, %arg9: memref<128x128xf32, #tpu.memory_space<vmem>>, %arg10: memref<128x128xf32, #tpu.memory_space<vmem>>, %arg11: memref<128x128xf32, #tpu.memory_space<vmem>>, %arg12: memref<!tpu.dma_semaphore, #tpu.memory_space<semaphore_mem>>, %arg13: memref<!tpu.dma_semaphore, #tpu.memory_space<semaphore_mem>>, %arg14: memref<!tpu.dma_semaphore, #tpu.memory_space<semaphore_mem>>, %arg15: memref<!tpu.dma_semaphore, #tpu.memory_space<semaphore_mem>>, %arg16: memref<!tpu.dma_semaphore, #tpu.memory_space<semaphore_mem>>, %arg17: memref<!tpu.dma_semaphore, #tpu.memory_space<semaphore_mem>>, %arg18: memref<!tpu.dma_semaphore, #tpu.memory_space<semaphore_mem>>, %arg19: memref<!tpu.dma_semaphore, #tpu.memory_space<semaphore_mem>>) attributes {dimension_semantics = [#tpu.dimension_semantics<core_parallel>, #tpu.dimension_semantics<subcore_parallel>], iteration_bounds = array<i64: 2, 16>, scalar_prefetch = 0 : i64, scratch_operands = 13 : i64, tpu.core_type = #tpu.core_type<sc_vector_subcore>, window_params = [{transform_indices = #map}, {transform_indices = #map1}, {transform_indices = #map1}, {transform_indices = #map1}, {transform_indices = #map}]} {
    %mul3A = arith.constant 2 : i32
    %mul3A_0 = arith.muli %arg1, %mul3A : i32
    %add3A = arith.addi %mul3A_0, %arg0 : i32
    %mul3A_1 = arith.constant 512 : i32
    %mul3A_2 = arith.muli %add3A, %mul3A_1 : i32
    %add3A_3 = arith.constant 0 : i32
    %add3A_4 = arith.addi %mul3A_2, %add3A_3 : i32
    %run_scoped3A = arith.constant 0 : i32
    "tpu.region"() ({
      %run_scoped3A_394 = tpu.sem_alloc : memref<!tpu.dma_semaphore, #tpu.memory_space<semaphore_mem>>
      %dma_start3A_395 = arith.constant 0 : i32
      %dma_start3A_396 = tpu.memref_slice %arg7[%run_scoped3A, %dma_start3A_395] : memref<12x128xi32, #tpu.memory_space<vmem>> -> memref<1x128xi32, #tpu.memory_space<vmem>>
      %dma_start3A_397 = tpu.memref_squeeze %dma_start3A_396 : memref<1x128xi32, #tpu.memory_space<vmem>> -> memref<128xi32, #tpu.memory_space<vmem>>
      %dma_start3A_398 = tpu.memref_slice %arg3[%add3A_4] : memref<16384xi32, #tpu.memory_space<hbm>> -> memref<128xi32, #tpu.memory_space<hbm>>
      %dma_start3A_399 = arith.constant 0 : i32
      %dma_start3A_400 = tpu.memref_slice %arg7[%run_scoped3A, %dma_start3A_399] : memref<12x128xi32, #tpu.memory_space<vmem>> -> memref<1x128xi32, #tpu.memory_space<vmem>>
      %dma_start3A_401 = tpu.memref_squeeze %dma_start3A_400 : memref<1x128xi32, #tpu.memory_space<vmem>> -> memref<128xi32, #tpu.memory_space<vmem>>
      %dma_start3A_402 = tpu.memref_slice %arg3[%add3A_4] : memref<16384xi32, #tpu.memory_space<hbm>> -> memref<128xi32, #tpu.memory_space<hbm>>
      tpu.enqueue_dma source(%dma_start3A_402 : memref<128xi32, #tpu.memory_space<hbm>>) target(%dma_start3A_401 : memref<128xi32, #tpu.memory_space<vmem>>) target_semaphore(%run_scoped3A_394 : memref<!tpu.dma_semaphore, #tpu.memory_space<semaphore_mem>>)
      %dma_wait3A_403 = arith.constant 0 : i32
      %dma_wait3A_404 = tpu.memref_slice %arg7[%run_scoped3A, %dma_wait3A_403] : memref<12x128xi32, #tpu.memory_space<vmem>> -> memref<1x128xi32, #tpu.memory_space<vmem>>
      %dma_wait3A_405 = tpu.memref_squeeze %dma_wait3A_404 : memref<1x128xi32, #tpu.memory_space<vmem>> -> memref<128xi32, #tpu.memory_space<vmem>>
      %dma_wait3A_406 = tpu.memref_slice %arg3[%add3A_4] : memref<16384xi32, #tpu.memory_space<hbm>> -> memref<128xi32, #tpu.memory_space<hbm>>
      %dma_wait3A_407 = arith.constant 0 : i32
      %dma_wait3A_408 = tpu.memref_slice %arg7[%run_scoped3A, %dma_wait3A_407] : memref<12x128xi32, #tpu.memory_space<vmem>> -> memref<1x128xi32, #tpu.memory_space<vmem>>
      %dma_wait3A_409 = tpu.memref_squeeze %dma_wait3A_408 : memref<1x128xi32, #tpu.memory_space<vmem>> -> memref<128xi32, #tpu.memory_space<vmem>>
      %dma_wait3A_410 = tpu.memref_slice %arg3[%add3A_4] : memref<16384xi32, #tpu.memory_space<hbm>> -> memref<128xi32, #tpu.memory_space<hbm>>
      tpu.wait_dma2 semaphore(%run_scoped3A_394 : memref<!tpu.dma_semaphore, #tpu.memory_space<semaphore_mem>>) src(%dma_wait3A_410 : memref<128xi32, #tpu.memory_space<hbm>>) dst(%dma_wait3A_409 : memref<128xi32, #tpu.memory_space<vmem>>)
      tpu.yield
    }) : () -> ()
    %mul3A_5 = arith.constant 512 : i32
    %mul3A_6 = arith.muli %add3A, %mul3A_5 : i32
    %add3A_7 = arith.constant 128 : i32
    %add3A_8 = arith.addi %mul3A_6, %add3A_7 : i32
    %run_scoped3A_9 = arith.constant 1 : i32
    "tpu.region"() ({
      %run_scoped3A_394 = tpu.sem_alloc : memref<!tpu.dma_semaphore, #tpu.memory_space<semaphore_mem>>
      %dma_start3A_395 = arith.constant 0 : i32
      %dma_start3A_396 = tpu.memref_slice %arg7[%run_scoped3A_9, %dma_start3A_395] : memref<12x128xi32, #tpu.memory_space<vmem>> -> memref<1x128xi32, #tpu.memory_space<vmem>>
      %dma_start3A_397 = tpu.memref_squeeze %dma_start3A_396 : memref<1x128xi32, #tpu.memory_space<vmem>> -> memref<128xi32, #tpu.memory_space<vmem>>
      %dma_start3A_398 = tpu.memref_slice %arg3[%add3A_8] : memref<16384xi32, #tpu.memory_space<hbm>> -> memref<128xi32, #tpu.memory_space<hbm>>
      %dma_start3A_399 = arith.constant 0 : i32
      %dma_start3A_400 = tpu.memref_slice %arg7[%run_scoped3A_9, %dma_start3A_399] : memref<12x128xi32, #tpu.memory_space<vmem>> -> memref<1x128xi32, #tpu.memory_space<vmem>>
      %dma_start3A_401 = tpu.memref_squeeze %dma_start3A_400 : memref<1x128xi32, #tpu.memory_space<vmem>> -> memref<128xi32, #tpu.memory_space<vmem>>
      %dma_start3A_402 = tpu.memref_slice %arg3[%add3A_8] : memref<16384xi32, #tpu.memory_space<hbm>> -> memref<128xi32, #tpu.memory_space<hbm>>
      tpu.enqueue_dma source(%dma_start3A_402 : memref<128xi32, #tpu.memory_space<hbm>>) target(%dma_start3A_401 : memref<128xi32, #tpu.memory_space<vmem>>) target_semaphore(%run_scoped3A_394 : memref<!tpu.dma_semaphore, #tpu.memory_space<semaphore_mem>>)
      %dma_wait3A_403 = arith.constant 0 : i32
      %dma_wait3A_404 = tpu.memref_slice %arg7[%run_scoped3A_9, %dma_wait3A_403] : memref<12x128xi32, #tpu.memory_space<vmem>> -> memref<1x128xi32, #tpu.memory_space<vmem>>
      %dma_wait3A_405 = tpu.memref_squeeze %dma_wait3A_404 : memref<1x128xi32, #tpu.memory_space<vmem>> -> memref<128xi32, #tpu.memory_space<vmem>>
      %dma_wait3A_406 = tpu.memref_slice %arg3[%add3A_8] : memref<16384xi32, #tpu.memory_space<hbm>> -> memref<128xi32, #tpu.memory_space<hbm>>
      %dma_wait3A_407 = arith.constant 0 : i32
      %dma_wait3A_408 = tpu.memref_slice %arg7[%run_scoped3A_9, %dma_wait3A_407] : memref<12x128xi32, #tpu.memory_space<vmem>> -> memref<1x128xi32, #tpu.memory_space<vmem>>
      %dma_wait3A_409 = tpu.memref_squeeze %dma_wait3A_408 : memref<1x128xi32, #tpu.memory_space<vmem>> -> memref<128xi32, #tpu.memory_space<vmem>>
      %dma_wait3A_410 = tpu.memref_slice %arg3[%add3A_8] : memref<16384xi32, #tpu.memory_space<hbm>> -> memref<128xi32, #tpu.memory_space<hbm>>
      tpu.wait_dma2 semaphore(%run_scoped3A_394 : memref<!tpu.dma_semaphore, #tpu.memory_space<semaphore_mem>>) src(%dma_wait3A_410 : memref<128xi32, #tpu.memory_space<hbm>>) dst(%dma_wait3A_409 : memref<128xi32, #tpu.memory_space<vmem>>)
      tpu.yield
    }) : () -> ()
    %mul3A_10 = arith.constant 512 : i32
    %mul3A_11 = arith.muli %add3A, %mul3A_10 : i32
    %add3A_12 = arith.constant 256 : i32
    %add3A_13 = arith.addi %mul3A_11, %add3A_12 : i32
    %run_scoped3A_14 = arith.constant 2 : i32
    "tpu.region"() ({
      %run_scoped3A_394 = tpu.sem_alloc : memref<!tpu.dma_semaphore, #tpu.memory_space<semaphore_mem>>
      %dma_start3A_395 = arith.constant 0 : i32
      %dma_start3A_396 = tpu.memref_slice %arg7[%run_scoped3A_14, %dma_start3A_395] : memref<12x128xi32, #tpu.memory_space<vmem>> -> memref<1x128xi32, #tpu.memory_space<vmem>>
      %dma_start3A_397 = tpu.memref_squeeze %dma_start3A_396 : memref<1x128xi32, #tpu.memory_space<vmem>> -> memref<128xi32, #tpu.memory_space<vmem>>
      %dma_start3A_398 = tpu.memref_slice %arg3[%add3A_13] : memref<16384xi32, #tpu.memory_space<hbm>> -> memref<128xi32, #tpu.memory_space<hbm>>
      %dma_start3A_399 = arith.constant 0 : i32
      %dma_start3A_400 = tpu.memref_slice %arg7[%run_scoped3A_14, %dma_start3A_399] : memref<12x128xi32, #tpu.memory_space<vmem>> -> memref<1x128xi32, #tpu.memory_space<vmem>>
      %dma_start3A_401 = tpu.memref_squeeze %dma_start3A_400 : memref<1x128xi32, #tpu.memory_space<vmem>> -> memref<128xi32, #tpu.memory_space<vmem>>
      %dma_start3A_402 = tpu.memref_slice %arg3[%add3A_13] : memref<16384xi32, #tpu.memory_space<hbm>> -> memref<128xi32, #tpu.memory_space<hbm>>
      tpu.enqueue_dma source(%dma_start3A_402 : memref<128xi32, #tpu.memory_space<hbm>>) target(%dma_start3A_401 : memref<128xi32, #tpu.memory_space<vmem>>) target_semaphore(%run_scoped3A_394 : memref<!tpu.dma_semaphore, #tpu.memory_space<semaphore_mem>>)
      %dma_wait3A_403 = arith.constant 0 : i32
      %dma_wait3A_404 = tpu.memref_slice %arg7[%run_scoped3A_14, %dma_wait3A_403] : memref<12x128xi32, #tpu.memory_space<vmem>> -> memref<1x128xi32, #tpu.memory_space<vmem>>
      %dma_wait3A_405 = tpu.memref_squeeze %dma_wait3A_404 : memref<1x128xi32, #tpu.memory_space<vmem>> -> memref<128xi32, #tpu.memory_space<vmem>>
      %dma_wait3A_406 = tpu.memref_slice %arg3[%add3A_13] : memref<16384xi32, #tpu.memory_space<hbm>> -> memref<128xi32, #tpu.memory_space<hbm>>
      %dma_wait3A_407 = arith.constant 0 : i32
      %dma_wait3A_408 = tpu.memref_slice %arg7[%run_scoped3A_14, %dma_wait3A_407] : memref<12x128xi32, #tpu.memory_space<vmem>> -> memref<1x128xi32, #tpu.memory_space<vmem>>
      %dma_wait3A_409 = tpu.memref_squeeze %dma_wait3A_408 : memref<1x128xi32, #tpu.memory_space<vmem>> -> memref<128xi32, #tpu.memory_space<vmem>>
      %dma_wait3A_410 = tpu.memref_slice %arg3[%add3A_13] : memref<16384xi32, #tpu.memory_space<hbm>> -> memref<128xi32, #tpu.memory_space<hbm>>
      tpu.wait_dma2 semaphore(%run_scoped3A_394 : memref<!tpu.dma_semaphore, #tpu.memory_space<semaphore_mem>>) src(%dma_wait3A_410 : memref<128xi32, #tpu.memory_space<hbm>>) dst(%dma_wait3A_409 : memref<128xi32, #tpu.memory_space<vmem>>)
      tpu.yield
    }) : () -> ()
    %mul3A_15 = arith.constant 512 : i32
    %mul3A_16 = arith.muli %add3A, %mul3A_15 : i32
    %add3A_17 = arith.constant 384 : i32
    %add3A_18 = arith.addi %mul3A_16, %add3A_17 : i32
    %run_scoped3A_19 = arith.constant 3 : i32
    "tpu.region"() ({
      %run_scoped3A_394 = tpu.sem_alloc : memref<!tpu.dma_semaphore, #tpu.memory_space<semaphore_mem>>
      %dma_start3A_395 = arith.constant 0 : i32
      %dma_start3A_396 = tpu.memref_slice %arg7[%run_scoped3A_19, %dma_start3A_395] : memref<12x128xi32, #tpu.memory_space<vmem>> -> memref<1x128xi32, #tpu.memory_space<vmem>>
      %dma_start3A_397 = tpu.memref_squeeze %dma_start3A_396 : memref<1x128xi32, #tpu.memory_space<vmem>> -> memref<128xi32, #tpu.memory_space<vmem>>
      %dma_start3A_398 = tpu.memref_slice %arg3[%add3A_18] : memref<16384xi32, #tpu.memory_space<hbm>> -> memref<128xi32, #tpu.memory_space<hbm>>
      %dma_start3A_399 = arith.constant 0 : i32
      %dma_start3A_400 = tpu.memref_slice %arg7[%run_scoped3A_19, %dma_start3A_399] : memref<12x128xi32, #tpu.memory_space<vmem>> -> memref<1x128xi32, #tpu.memory_space<vmem>>
      %dma_start3A_401 = tpu.memref_squeeze %dma_start3A_400 : memref<1x128xi32, #tpu.memory_space<vmem>> -> memref<128xi32, #tpu.memory_space<vmem>>
      %dma_start3A_402 = tpu.memref_slice %arg3[%add3A_18] : memref<16384xi32, #tpu.memory_space<hbm>> -> memref<128xi32, #tpu.memory_space<hbm>>
      tpu.enqueue_dma source(%dma_start3A_402 : memref<128xi32, #tpu.memory_space<hbm>>) target(%dma_start3A_401 : memref<128xi32, #tpu.memory_space<vmem>>) target_semaphore(%run_scoped3A_394 : memref<!tpu.dma_semaphore, #tpu.memory_space<semaphore_mem>>)
      %dma_wait3A_403 = arith.constant 0 : i32
      %dma_wait3A_404 = tpu.memref_slice %arg7[%run_scoped3A_19, %dma_wait3A_403] : memref<12x128xi32, #tpu.memory_space<vmem>> -> memref<1x128xi32, #tpu.memory_space<vmem>>
      %dma_wait3A_405 = tpu.memref_squeeze %dma_wait3A_404 : memref<1x128xi32, #tpu.memory_space<vmem>> -> memref<128xi32, #tpu.memory_space<vmem>>
      %dma_wait3A_406 = tpu.memref_slice %arg3[%add3A_18] : memref<16384xi32, #tpu.memory_space<hbm>> -> memref<128xi32, #tpu.memory_space<hbm>>
      %dma_wait3A_407 = arith.constant 0 : i32
      %dma_wait3A_408 = tpu.memref_slice %arg7[%run_scoped3A_19, %dma_wait3A_407] : memref<12x128xi32, #tpu.memory_space<vmem>> -> memref<1x128xi32, #tpu.memory_space<vmem>>
      %dma_wait3A_409 = tpu.memref_squeeze %dma_wait3A_408 : memref<1x128xi32, #tpu.memory_space<vmem>> -> memref<128xi32, #tpu.memory_space<vmem>>
      %dma_wait3A_410 = tpu.memref_slice %arg3[%add3A_18] : memref<16384xi32, #tpu.memory_space<hbm>> -> memref<128xi32, #tpu.memory_space<hbm>>
      tpu.wait_dma2 semaphore(%run_scoped3A_394 : memref<!tpu.dma_semaphore, #tpu.memory_space<semaphore_mem>>) src(%dma_wait3A_410 : memref<128xi32, #tpu.memory_space<hbm>>) dst(%dma_wait3A_409 : memref<128xi32, #tpu.memory_space<vmem>>)
      tpu.yield
    }) : () -> ()
    %mul3A_20 = arith.constant 512 : i32
    %mul3A_21 = arith.muli %add3A, %mul3A_20 : i32
    %add3A_22 = arith.constant 0 : i32
    %add3A_23 = arith.addi %mul3A_21, %add3A_22 : i32
    %run_scoped3A_24 = arith.constant 4 : i32
    "tpu.region"() ({
      %run_scoped3A_394 = tpu.sem_alloc : memref<!tpu.dma_semaphore, #tpu.memory_space<semaphore_mem>>
      %dma_start3A_395 = arith.constant 0 : i32
      %dma_start3A_396 = tpu.memref_slice %arg7[%run_scoped3A_24, %dma_start3A_395] : memref<12x128xi32, #tpu.memory_space<vmem>> -> memref<1x128xi32, #tpu.memory_space<vmem>>
      %dma_start3A_397 = tpu.memref_squeeze %dma_start3A_396 : memref<1x128xi32, #tpu.memory_space<vmem>> -> memref<128xi32, #tpu.memory_space<vmem>>
      %dma_start3A_398 = tpu.memref_slice %arg4[%add3A_23] : memref<16384xi32, #tpu.memory_space<hbm>> -> memref<128xi32, #tpu.memory_space<hbm>>
      %dma_start3A_399 = arith.constant 0 : i32
      %dma_start3A_400 = tpu.memref_slice %arg7[%run_scoped3A_24, %dma_start3A_399] : memref<12x128xi32, #tpu.memory_space<vmem>> -> memref<1x128xi32, #tpu.memory_space<vmem>>
      %dma_start3A_401 = tpu.memref_squeeze %dma_start3A_400 : memref<1x128xi32, #tpu.memory_space<vmem>> -> memref<128xi32, #tpu.memory_space<vmem>>
      %dma_start3A_402 = tpu.memref_slice %arg4[%add3A_23] : memref<16384xi32, #tpu.memory_space<hbm>> -> memref<128xi32, #tpu.memory_space<hbm>>
      tpu.enqueue_dma source(%dma_start3A_402 : memref<128xi32, #tpu.memory_space<hbm>>) target(%dma_start3A_401 : memref<128xi32, #tpu.memory_space<vmem>>) target_semaphore(%run_scoped3A_394 : memref<!tpu.dma_semaphore, #tpu.memory_space<semaphore_mem>>)
      %dma_wait3A_403 = arith.constant 0 : i32
      %dma_wait3A_404 = tpu.memref_slice %arg7[%run_scoped3A_24, %dma_wait3A_403] : memref<12x128xi32, #tpu.memory_space<vmem>> -> memref<1x128xi32, #tpu.memory_space<vmem>>
      %dma_wait3A_405 = tpu.memref_squeeze %dma_wait3A_404 : memref<1x128xi32, #tpu.memory_space<vmem>> -> memref<128xi32, #tpu.memory_space<vmem>>
      %dma_wait3A_406 = tpu.memref_slice %arg4[%add3A_23] : memref<16384xi32, #tpu.memory_space<hbm>> -> memref<128xi32, #tpu.memory_space<hbm>>
      %dma_wait3A_407 = arith.constant 0 : i32
      %dma_wait3A_408 = tpu.memref_slice %arg7[%run_scoped3A_24, %dma_wait3A_407] : memref<12x128xi32, #tpu.memory_space<vmem>> -> memref<1x128xi32, #tpu.memory_space<vmem>>
      %dma_wait3A_409 = tpu.memref_squeeze %dma_wait3A_408 : memref<1x128xi32, #tpu.memory_space<vmem>> -> memref<128xi32, #tpu.memory_space<vmem>>
      %dma_wait3A_410 = tpu.memref_slice %arg4[%add3A_23] : memref<16384xi32, #tpu.memory_space<hbm>> -> memref<128xi32, #tpu.memory_space<hbm>>
      tpu.wait_dma2 semaphore(%run_scoped3A_394 : memref<!tpu.dma_semaphore, #tpu.memory_space<semaphore_mem>>) src(%dma_wait3A_410 : memref<128xi32, #tpu.memory_space<hbm>>) dst(%dma_wait3A_409 : memref<128xi32, #tpu.memory_space<vmem>>)
      tpu.yield
    }) : () -> ()
    %mul3A_25 = arith.constant 512 : i32
    %mul3A_26 = arith.muli %add3A, %mul3A_25 : i32
    %add3A_27 = arith.constant 128 : i32
    %add3A_28 = arith.addi %mul3A_26, %add3A_27 : i32
    %run_scoped3A_29 = arith.constant 5 : i32
    "tpu.region"() ({
      %run_scoped3A_394 = tpu.sem_alloc : memref<!tpu.dma_semaphore, #tpu.memory_space<semaphore_mem>>
      %dma_start3A_395 = arith.constant 0 : i32
      %dma_start3A_396 = tpu.memref_slice %arg7[%run_scoped3A_29, %dma_start3A_395] : memref<12x128xi32, #tpu.memory_space<vmem>> -> memref<1x128xi32, #tpu.memory_space<vmem>>
      %dma_start3A_397 = tpu.memref_squeeze %dma_start3A_396 : memref<1x128xi32, #tpu.memory_space<vmem>> -> memref<128xi32, #tpu.memory_space<vmem>>
      %dma_start3A_398 = tpu.memref_slice %arg4[%add3A_28] : memref<16384xi32, #tpu.memory_space<hbm>> -> memref<128xi32, #tpu.memory_space<hbm>>
      %dma_start3A_399 = arith.constant 0 : i32
      %dma_start3A_400 = tpu.memref_slice %arg7[%run_scoped3A_29, %dma_start3A_399] : memref<12x128xi32, #tpu.memory_space<vmem>> -> memref<1x128xi32, #tpu.memory_space<vmem>>
      %dma_start3A_401 = tpu.memref_squeeze %dma_start3A_400 : memref<1x128xi32, #tpu.memory_space<vmem>> -> memref<128xi32, #tpu.memory_space<vmem>>
      %dma_start3A_402 = tpu.memref_slice %arg4[%add3A_28] : memref<16384xi32, #tpu.memory_space<hbm>> -> memref<128xi32, #tpu.memory_space<hbm>>
      tpu.enqueue_dma source(%dma_start3A_402 : memref<128xi32, #tpu.memory_space<hbm>>) target(%dma_start3A_401 : memref<128xi32, #tpu.memory_space<vmem>>) target_semaphore(%run_scoped3A_394 : memref<!tpu.dma_semaphore, #tpu.memory_space<semaphore_mem>>)
      %dma_wait3A_403 = arith.constant 0 : i32
      %dma_wait3A_404 = tpu.memref_slice %arg7[%run_scoped3A_29, %dma_wait3A_403] : memref<12x128xi32, #tpu.memory_space<vmem>> -> memref<1x128xi32, #tpu.memory_space<vmem>>
      %dma_wait3A_405 = tpu.memref_squeeze %dma_wait3A_404 : memref<1x128xi32, #tpu.memory_space<vmem>> -> memref<128xi32, #tpu.memory_space<vmem>>
      %dma_wait3A_406 = tpu.memref_slice %arg4[%add3A_28] : memref<16384xi32, #tpu.memory_space<hbm>> -> memref<128xi32, #tpu.memory_space<hbm>>
      %dma_wait3A_407 = arith.constant 0 : i32
      %dma_wait3A_408 = tpu.memref_slice %arg7[%run_scoped3A_29, %dma_wait3A_407] : memref<12x128xi32, #tpu.memory_space<vmem>> -> memref<1x128xi32, #tpu.memory_space<vmem>>
      %dma_wait3A_409 = tpu.memref_squeeze %dma_wait3A_408 : memref<1x128xi32, #tpu.memory_space<vmem>> -> memref<128xi32, #tpu.memory_space<vmem>>
      %dma_wait3A_410 = tpu.memref_slice %arg4[%add3A_28] : memref<16384xi32, #tpu.memory_space<hbm>> -> memref<128xi32, #tpu.memory_space<hbm>>
      tpu.wait_dma2 semaphore(%run_scoped3A_394 : memref<!tpu.dma_semaphore, #tpu.memory_space<semaphore_mem>>) src(%dma_wait3A_410 : memref<128xi32, #tpu.memory_space<hbm>>) dst(%dma_wait3A_409 : memref<128xi32, #tpu.memory_space<vmem>>)
      tpu.yield
    }) : () -> ()
    %mul3A_30 = arith.constant 512 : i32
    %mul3A_31 = arith.muli %add3A, %mul3A_30 : i32
    %add3A_32 = arith.constant 256 : i32
    %add3A_33 = arith.addi %mul3A_31, %add3A_32 : i32
    %run_scoped3A_34 = arith.constant 6 : i32
    "tpu.region"() ({
      %run_scoped3A_394 = tpu.sem_alloc : memref<!tpu.dma_semaphore, #tpu.memory_space<semaphore_mem>>
      %dma_start3A_395 = arith.constant 0 : i32
      %dma_start3A_396 = tpu.memref_slice %arg7[%run_scoped3A_34, %dma_start3A_395] : memref<12x128xi32, #tpu.memory_space<vmem>> -> memref<1x128xi32, #tpu.memory_space<vmem>>
      %dma_start3A_397 = tpu.memref_squeeze %dma_start3A_396 : memref<1x128xi32, #tpu.memory_space<vmem>> -> memref<128xi32, #tpu.memory_space<vmem>>
      %dma_start3A_398 = tpu.memref_slice %arg4[%add3A_33] : memref<16384xi32, #tpu.memory_space<hbm>> -> memref<128xi32, #tpu.memory_space<hbm>>
      %dma_start3A_399 = arith.constant 0 : i32
      %dma_start3A_400 = tpu.memref_slice %arg7[%run_scoped3A_34, %dma_start3A_399] : memref<12x128xi32, #tpu.memory_space<vmem>> -> memref<1x128xi32, #tpu.memory_space<vmem>>
      %dma_start3A_401 = tpu.memref_squeeze %dma_start3A_400 : memref<1x128xi32, #tpu.memory_space<vmem>> -> memref<128xi32, #tpu.memory_space<vmem>>
      %dma_start3A_402 = tpu.memref_slice %arg4[%add3A_33] : memref<16384xi32, #tpu.memory_space<hbm>> -> memref<128xi32, #tpu.memory_space<hbm>>
      tpu.enqueue_dma source(%dma_start3A_402 : memref<128xi32, #tpu.memory_space<hbm>>) target(%dma_start3A_401 : memref<128xi32, #tpu.memory_space<vmem>>) target_semaphore(%run_scoped3A_394 : memref<!tpu.dma_semaphore, #tpu.memory_space<semaphore_mem>>)
      %dma_wait3A_403 = arith.constant 0 : i32
      %dma_wait3A_404 = tpu.memref_slice %arg7[%run_scoped3A_34, %dma_wait3A_403] : memref<12x128xi32, #tpu.memory_space<vmem>> -> memref<1x128xi32, #tpu.memory_space<vmem>>
      %dma_wait3A_405 = tpu.memref_squeeze %dma_wait3A_404 : memref<1x128xi32, #tpu.memory_space<vmem>> -> memref<128xi32, #tpu.memory_space<vmem>>
      %dma_wait3A_406 = tpu.memref_slice %arg4[%add3A_33] : memref<16384xi32, #tpu.memory_space<hbm>> -> memref<128xi32, #tpu.memory_space<hbm>>
      %dma_wait3A_407 = arith.constant 0 : i32
      %dma_wait3A_408 = tpu.memref_slice %arg7[%run_scoped3A_34, %dma_wait3A_407] : memref<12x128xi32, #tpu.memory_space<vmem>> -> memref<1x128xi32, #tpu.memory_space<vmem>>
      %dma_wait3A_409 = tpu.memref_squeeze %dma_wait3A_408 : memref<1x128xi32, #tpu.memory_space<vmem>> -> memref<128xi32, #tpu.memory_space<vmem>>
      %dma_wait3A_410 = tpu.memref_slice %arg4[%add3A_33] : memref<16384xi32, #tpu.memory_space<hbm>> -> memref<128xi32, #tpu.memory_space<hbm>>
      tpu.wait_dma2 semaphore(%run_scoped3A_394 : memref<!tpu.dma_semaphore, #tpu.memory_space<semaphore_mem>>) src(%dma_wait3A_410 : memref<128xi32, #tpu.memory_space<hbm>>) dst(%dma_wait3A_409 : memref<128xi32, #tpu.memory_space<vmem>>)
      tpu.yield
    }) : () -> ()
    %mul3A_35 = arith.constant 512 : i32
    %mul3A_36 = arith.muli %add3A, %mul3A_35 : i32
    %add3A_37 = arith.constant 384 : i32
    %add3A_38 = arith.addi %mul3A_36, %add3A_37 : i32
    %run_scoped3A_39 = arith.constant 7 : i32
    "tpu.region"() ({
      %run_scoped3A_394 = tpu.sem_alloc : memref<!tpu.dma_semaphore, #tpu.memory_space<semaphore_mem>>
      %dma_start3A_395 = arith.constant 0 : i32
      %dma_start3A_396 = tpu.memref_slice %arg7[%run_scoped3A_39, %dma_start3A_395] : memref<12x128xi32, #tpu.memory_space<vmem>> -> memref<1x128xi32, #tpu.memory_space<vmem>>
      %dma_start3A_397 = tpu.memref_squeeze %dma_start3A_396 : memref<1x128xi32, #tpu.memory_space<vmem>> -> memref<128xi32, #tpu.memory_space<vmem>>
      %dma_start3A_398 = tpu.memref_slice %arg4[%add3A_38] : memref<16384xi32, #tpu.memory_space<hbm>> -> memref<128xi32, #tpu.memory_space<hbm>>
      %dma_start3A_399 = arith.constant 0 : i32
      %dma_start3A_400 = tpu.memref_slice %arg7[%run_scoped3A_39, %dma_start3A_399] : memref<12x128xi32, #tpu.memory_space<vmem>> -> memref<1x128xi32, #tpu.memory_space<vmem>>
      %dma_start3A_401 = tpu.memref_squeeze %dma_start3A_400 : memref<1x128xi32, #tpu.memory_space<vmem>> -> memref<128xi32, #tpu.memory_space<vmem>>
      %dma_start3A_402 = tpu.memref_slice %arg4[%add3A_38] : memref<16384xi32, #tpu.memory_space<hbm>> -> memref<128xi32, #tpu.memory_space<hbm>>
      tpu.enqueue_dma source(%dma_start3A_402 : memref<128xi32, #tpu.memory_space<hbm>>) target(%dma_start3A_401 : memref<128xi32, #tpu.memory_space<vmem>>) target_semaphore(%run_scoped3A_394 : memref<!tpu.dma_semaphore, #tpu.memory_space<semaphore_mem>>)
      %dma_wait3A_403 = arith.constant 0 : i32
      %dma_wait3A_404 = tpu.memref_slice %arg7[%run_scoped3A_39, %dma_wait3A_403] : memref<12x128xi32, #tpu.memory_space<vmem>> -> memref<1x128xi32, #tpu.memory_space<vmem>>
      %dma_wait3A_405 = tpu.memref_squeeze %dma_wait3A_404 : memref<1x128xi32, #tpu.memory_space<vmem>> -> memref<128xi32, #tpu.memory_space<vmem>>
      %dma_wait3A_406 = tpu.memref_slice %arg4[%add3A_38] : memref<16384xi32, #tpu.memory_space<hbm>> -> memref<128xi32, #tpu.memory_space<hbm>>
      %dma_wait3A_407 = arith.constant 0 : i32
      %dma_wait3A_408 = tpu.memref_slice %arg7[%run_scoped3A_39, %dma_wait3A_407] : memref<12x128xi32, #tpu.memory_space<vmem>> -> memref<1x128xi32, #tpu.memory_space<vmem>>
      %dma_wait3A_409 = tpu.memref_squeeze %dma_wait3A_408 : memref<1x128xi32, #tpu.memory_space<vmem>> -> memref<128xi32, #tpu.memory_space<vmem>>
      %dma_wait3A_410 = tpu.memref_slice %arg4[%add3A_38] : memref<16384xi32, #tpu.memory_space<hbm>> -> memref<128xi32, #tpu.memory_space<hbm>>
      tpu.wait_dma2 semaphore(%run_scoped3A_394 : memref<!tpu.dma_semaphore, #tpu.memory_space<semaphore_mem>>) src(%dma_wait3A_410 : memref<128xi32, #tpu.memory_space<hbm>>) dst(%dma_wait3A_409 : memref<128xi32, #tpu.memory_space<vmem>>)
      tpu.yield
    }) : () -> ()
    %mul3A_40 = arith.constant 512 : i32
    %mul3A_41 = arith.muli %add3A, %mul3A_40 : i32
    %add3A_42 = arith.constant 0 : i32
    %add3A_43 = arith.addi %mul3A_41, %add3A_42 : i32
    %run_scoped3A_44 = arith.constant 8 : i32
    "tpu.region"() ({
      %run_scoped3A_394 = tpu.sem_alloc : memref<!tpu.dma_semaphore, #tpu.memory_space<semaphore_mem>>
      %dma_start3A_395 = arith.constant 0 : i32
      %dma_start3A_396 = tpu.memref_slice %arg7[%run_scoped3A_44, %dma_start3A_395] : memref<12x128xi32, #tpu.memory_space<vmem>> -> memref<1x128xi32, #tpu.memory_space<vmem>>
      %dma_start3A_397 = tpu.memref_squeeze %dma_start3A_396 : memref<1x128xi32, #tpu.memory_space<vmem>> -> memref<128xi32, #tpu.memory_space<vmem>>
      %dma_start3A_398 = tpu.memref_slice %arg5[%add3A_43] : memref<16384xi32, #tpu.memory_space<hbm>> -> memref<128xi32, #tpu.memory_space<hbm>>
      %dma_start3A_399 = arith.constant 0 : i32
      %dma_start3A_400 = tpu.memref_slice %arg7[%run_scoped3A_44, %dma_start3A_399] : memref<12x128xi32, #tpu.memory_space<vmem>> -> memref<1x128xi32, #tpu.memory_space<vmem>>
      %dma_start3A_401 = tpu.memref_squeeze %dma_start3A_400 : memref<1x128xi32, #tpu.memory_space<vmem>> -> memref<128xi32, #tpu.memory_space<vmem>>
      %dma_start3A_402 = tpu.memref_slice %arg5[%add3A_43] : memref<16384xi32, #tpu.memory_space<hbm>> -> memref<128xi32, #tpu.memory_space<hbm>>
      tpu.enqueue_dma source(%dma_start3A_402 : memref<128xi32, #tpu.memory_space<hbm>>) target(%dma_start3A_401 : memref<128xi32, #tpu.memory_space<vmem>>) target_semaphore(%run_scoped3A_394 : memref<!tpu.dma_semaphore, #tpu.memory_space<semaphore_mem>>)
      %dma_wait3A_403 = arith.constant 0 : i32
      %dma_wait3A_404 = tpu.memref_slice %arg7[%run_scoped3A_44, %dma_wait3A_403] : memref<12x128xi32, #tpu.memory_space<vmem>> -> memref<1x128xi32, #tpu.memory_space<vmem>>
      %dma_wait3A_405 = tpu.memref_squeeze %dma_wait3A_404 : memref<1x128xi32, #tpu.memory_space<vmem>> -> memref<128xi32, #tpu.memory_space<vmem>>
      %dma_wait3A_406 = tpu.memref_slice %arg5[%add3A_43] : memref<16384xi32, #tpu.memory_space<hbm>> -> memref<128xi32, #tpu.memory_space<hbm>>
      %dma_wait3A_407 = arith.constant 0 : i32
      %dma_wait3A_408 = tpu.memref_slice %arg7[%run_scoped3A_44, %dma_wait3A_407] : memref<12x128xi32, #tpu.memory_space<vmem>> -> memref<1x128xi32, #tpu.memory_space<vmem>>
      %dma_wait3A_409 = tpu.memref_squeeze %dma_wait3A_408 : memref<1x128xi32, #tpu.memory_space<vmem>> -> memref<128xi32, #tpu.memory_space<vmem>>
      %dma_wait3A_410 = tpu.memref_slice %arg5[%add3A_43] : memref<16384xi32, #tpu.memory_space<hbm>> -> memref<128xi32, #tpu.memory_space<hbm>>
      tpu.wait_dma2 semaphore(%run_scoped3A_394 : memref<!tpu.dma_semaphore, #tpu.memory_space<semaphore_mem>>) src(%dma_wait3A_410 : memref<128xi32, #tpu.memory_space<hbm>>) dst(%dma_wait3A_409 : memref<128xi32, #tpu.memory_space<vmem>>)
      tpu.yield
    }) : () -> ()
    %mul3A_45 = arith.constant 512 : i32
    %mul3A_46 = arith.muli %add3A, %mul3A_45 : i32
    %add3A_47 = arith.constant 128 : i32
    %add3A_48 = arith.addi %mul3A_46, %add3A_47 : i32
    %run_scoped3A_49 = arith.constant 9 : i32
    "tpu.region"() ({
      %run_scoped3A_394 = tpu.sem_alloc : memref<!tpu.dma_semaphore, #tpu.memory_space<semaphore_mem>>
      %dma_start3A_395 = arith.constant 0 : i32
      %dma_start3A_396 = tpu.memref_slice %arg7[%run_scoped3A_49, %dma_start3A_395] : memref<12x128xi32, #tpu.memory_space<vmem>> -> memref<1x128xi32, #tpu.memory_space<vmem>>
      %dma_start3A_397 = tpu.memref_squeeze %dma_start3A_396 : memref<1x128xi32, #tpu.memory_space<vmem>> -> memref<128xi32, #tpu.memory_space<vmem>>
      %dma_start3A_398 = tpu.memref_slice %arg5[%add3A_48] : memref<16384xi32, #tpu.memory_space<hbm>> -> memref<128xi32, #tpu.memory_space<hbm>>
      %dma_start3A_399 = arith.constant 0 : i32
      %dma_start3A_400 = tpu.memref_slice %arg7[%run_scoped3A_49, %dma_start3A_399] : memref<12x128xi32, #tpu.memory_space<vmem>> -> memref<1x128xi32, #tpu.memory_space<vmem>>
      %dma_start3A_401 = tpu.memref_squeeze %dma_start3A_400 : memref<1x128xi32, #tpu.memory_space<vmem>> -> memref<128xi32, #tpu.memory_space<vmem>>
      %dma_start3A_402 = tpu.memref_slice %arg5[%add3A_48] : memref<16384xi32, #tpu.memory_space<hbm>> -> memref<128xi32, #tpu.memory_space<hbm>>
      tpu.enqueue_dma source(%dma_start3A_402 : memref<128xi32, #tpu.memory_space<hbm>>) target(%dma_start3A_401 : memref<128xi32, #tpu.memory_space<vmem>>) target_semaphore(%run_scoped3A_394 : memref<!tpu.dma_semaphore, #tpu.memory_space<semaphore_mem>>)
      %dma_wait3A_403 = arith.constant 0 : i32
      %dma_wait3A_404 = tpu.memref_slice %arg7[%run_scoped3A_49, %dma_wait3A_403] : memref<12x128xi32, #tpu.memory_space<vmem>> -> memref<1x128xi32, #tpu.memory_space<vmem>>
      %dma_wait3A_405 = tpu.memref_squeeze %dma_wait3A_404 : memref<1x128xi32, #tpu.memory_space<vmem>> -> memref<128xi32, #tpu.memory_space<vmem>>
      %dma_wait3A_406 = tpu.memref_slice %arg5[%add3A_48] : memref<16384xi32, #tpu.memory_space<hbm>> -> memref<128xi32, #tpu.memory_space<hbm>>
      %dma_wait3A_407 = arith.constant 0 : i32
      %dma_wait3A_408 = tpu.memref_slice %arg7[%run_scoped3A_49, %dma_wait3A_407] : memref<12x128xi32, #tpu.memory_space<vmem>> -> memref<1x128xi32, #tpu.memory_space<vmem>>
      %dma_wait3A_409 = tpu.memref_squeeze %dma_wait3A_408 : memref<1x128xi32, #tpu.memory_space<vmem>> -> memref<128xi32, #tpu.memory_space<vmem>>
      %dma_wait3A_410 = tpu.memref_slice %arg5[%add3A_48] : memref<16384xi32, #tpu.memory_space<hbm>> -> memref<128xi32, #tpu.memory_space<hbm>>
      tpu.wait_dma2 semaphore(%run_scoped3A_394 : memref<!tpu.dma_semaphore, #tpu.memory_space<semaphore_mem>>) src(%dma_wait3A_410 : memref<128xi32, #tpu.memory_space<hbm>>) dst(%dma_wait3A_409 : memref<128xi32, #tpu.memory_space<vmem>>)
      tpu.yield
    }) : () -> ()
    %mul3A_50 = arith.constant 512 : i32
    %mul3A_51 = arith.muli %add3A, %mul3A_50 : i32
    %add3A_52 = arith.constant 256 : i32
    %add3A_53 = arith.addi %mul3A_51, %add3A_52 : i32
    %run_scoped3A_54 = arith.constant 10 : i32
    "tpu.region"() ({
      %run_scoped3A_394 = tpu.sem_alloc : memref<!tpu.dma_semaphore, #tpu.memory_space<semaphore_mem>>
      %dma_start3A_395 = arith.constant 0 : i32
      %dma_start3A_396 = tpu.memref_slice %arg7[%run_scoped3A_54, %dma_start3A_395] : memref<12x128xi32, #tpu.memory_space<vmem>> -> memref<1x128xi32, #tpu.memory_space<vmem>>
      %dma_start3A_397 = tpu.memref_squeeze %dma_start3A_396 : memref<1x128xi32, #tpu.memory_space<vmem>> -> memref<128xi32, #tpu.memory_space<vmem>>
      %dma_start3A_398 = tpu.memref_slice %arg5[%add3A_53] : memref<16384xi32, #tpu.memory_space<hbm>> -> memref<128xi32, #tpu.memory_space<hbm>>
      %dma_start3A_399 = arith.constant 0 : i32
      %dma_start3A_400 = tpu.memref_slice %arg7[%run_scoped3A_54, %dma_start3A_399] : memref<12x128xi32, #tpu.memory_space<vmem>> -> memref<1x128xi32, #tpu.memory_space<vmem>>
      %dma_start3A_401 = tpu.memref_squeeze %dma_start3A_400 : memref<1x128xi32, #tpu.memory_space<vmem>> -> memref<128xi32, #tpu.memory_space<vmem>>
      %dma_start3A_402 = tpu.memref_slice %arg5[%add3A_53] : memref<16384xi32, #tpu.memory_space<hbm>> -> memref<128xi32, #tpu.memory_space<hbm>>
      tpu.enqueue_dma source(%dma_start3A_402 : memref<128xi32, #tpu.memory_space<hbm>>) target(%dma_start3A_401 : memref<128xi32, #tpu.memory_space<vmem>>) target_semaphore(%run_scoped3A_394 : memref<!tpu.dma_semaphore, #tpu.memory_space<semaphore_mem>>)
      %dma_wait3A_403 = arith.constant 0 : i32
      %dma_wait3A_404 = tpu.memref_slice %arg7[%run_scoped3A_54, %dma_wait3A_403] : memref<12x128xi32, #tpu.memory_space<vmem>> -> memref<1x128xi32, #tpu.memory_space<vmem>>
      %dma_wait3A_405 = tpu.memref_squeeze %dma_wait3A_404 : memref<1x128xi32, #tpu.memory_space<vmem>> -> memref<128xi32, #tpu.memory_space<vmem>>
      %dma_wait3A_406 = tpu.memref_slice %arg5[%add3A_53] : memref<16384xi32, #tpu.memory_space<hbm>> -> memref<128xi32, #tpu.memory_space<hbm>>
      %dma_wait3A_407 = arith.constant 0 : i32
      %dma_wait3A_408 = tpu.memref_slice %arg7[%run_scoped3A_54, %dma_wait3A_407] : memref<12x128xi32, #tpu.memory_space<vmem>> -> memref<1x128xi32, #tpu.memory_space<vmem>>
      %dma_wait3A_409 = tpu.memref_squeeze %dma_wait3A_408 : memref<1x128xi32, #tpu.memory_space<vmem>> -> memref<128xi32, #tpu.memory_space<vmem>>
      %dma_wait3A_410 = tpu.memref_slice %arg5[%add3A_53] : memref<16384xi32, #tpu.memory_space<hbm>> -> memref<128xi32, #tpu.memory_space<hbm>>
      tpu.wait_dma2 semaphore(%run_scoped3A_394 : memref<!tpu.dma_semaphore, #tpu.memory_space<semaphore_mem>>) src(%dma_wait3A_410 : memref<128xi32, #tpu.memory_space<hbm>>) dst(%dma_wait3A_409 : memref<128xi32, #tpu.memory_space<vmem>>)
      tpu.yield
    }) : () -> ()
    %mul3A_55 = arith.constant 512 : i32
    %mul3A_56 = arith.muli %add3A, %mul3A_55 : i32
    %add3A_57 = arith.constant 384 : i32
    %add3A_58 = arith.addi %mul3A_56, %add3A_57 : i32
    %run_scoped3A_59 = arith.constant 11 : i32
    "tpu.region"() ({
      %run_scoped3A_394 = tpu.sem_alloc : memref<!tpu.dma_semaphore, #tpu.memory_space<semaphore_mem>>
      %dma_start3A_395 = arith.constant 0 : i32
      %dma_start3A_396 = tpu.memref_slice %arg7[%run_scoped3A_59, %dma_start3A_395] : memref<12x128xi32, #tpu.memory_space<vmem>> -> memref<1x128xi32, #tpu.memory_space<vmem>>
      %dma_start3A_397 = tpu.memref_squeeze %dma_start3A_396 : memref<1x128xi32, #tpu.memory_space<vmem>> -> memref<128xi32, #tpu.memory_space<vmem>>
      %dma_start3A_398 = tpu.memref_slice %arg5[%add3A_58] : memref<16384xi32, #tpu.memory_space<hbm>> -> memref<128xi32, #tpu.memory_space<hbm>>
      %dma_start3A_399 = arith.constant 0 : i32
      %dma_start3A_400 = tpu.memref_slice %arg7[%run_scoped3A_59, %dma_start3A_399] : memref<12x128xi32, #tpu.memory_space<vmem>> -> memref<1x128xi32, #tpu.memory_space<vmem>>
      %dma_start3A_401 = tpu.memref_squeeze %dma_start3A_400 : memref<1x128xi32, #tpu.memory_space<vmem>> -> memref<128xi32, #tpu.memory_space<vmem>>
      %dma_start3A_402 = tpu.memref_slice %arg5[%add3A_58] : memref<16384xi32, #tpu.memory_space<hbm>> -> memref<128xi32, #tpu.memory_space<hbm>>
      tpu.enqueue_dma source(%dma_start3A_402 : memref<128xi32, #tpu.memory_space<hbm>>) target(%dma_start3A_401 : memref<128xi32, #tpu.memory_space<vmem>>) target_semaphore(%run_scoped3A_394 : memref<!tpu.dma_semaphore, #tpu.memory_space<semaphore_mem>>)
      %dma_wait3A_403 = arith.constant 0 : i32
      %dma_wait3A_404 = tpu.memref_slice %arg7[%run_scoped3A_59, %dma_wait3A_403] : memref<12x128xi32, #tpu.memory_space<vmem>> -> memref<1x128xi32, #tpu.memory_space<vmem>>
      %dma_wait3A_405 = tpu.memref_squeeze %dma_wait3A_404 : memref<1x128xi32, #tpu.memory_space<vmem>> -> memref<128xi32, #tpu.memory_space<vmem>>
      %dma_wait3A_406 = tpu.memref_slice %arg5[%add3A_58] : memref<16384xi32, #tpu.memory_space<hbm>> -> memref<128xi32, #tpu.memory_space<hbm>>
      %dma_wait3A_407 = arith.constant 0 : i32
      %dma_wait3A_408 = tpu.memref_slice %arg7[%run_scoped3A_59, %dma_wait3A_407] : memref<12x128xi32, #tpu.memory_space<vmem>> -> memref<1x128xi32, #tpu.memory_space<vmem>>
      %dma_wait3A_409 = tpu.memref_squeeze %dma_wait3A_408 : memref<1x128xi32, #tpu.memory_space<vmem>> -> memref<128xi32, #tpu.memory_space<vmem>>
      %dma_wait3A_410 = tpu.memref_slice %arg5[%add3A_58] : memref<16384xi32, #tpu.memory_space<hbm>> -> memref<128xi32, #tpu.memory_space<hbm>>
      tpu.wait_dma2 semaphore(%run_scoped3A_394 : memref<!tpu.dma_semaphore, #tpu.memory_space<semaphore_mem>>) src(%dma_wait3A_410 : memref<128xi32, #tpu.memory_space<hbm>>) dst(%dma_wait3A_409 : memref<128xi32, #tpu.memory_space<vmem>>)
      tpu.yield
    }) : () -> ()
    %dma_start3A = arith.constant 0 : i32
    %dma_start3A_60 = arith.constant 0 : i32
    %dma_start3A_61 = tpu.memref_slice %arg7[%dma_start3A, %dma_start3A_60] : memref<12x128xi32, #tpu.memory_space<vmem>> -> memref<1x128xi32, #tpu.memory_space<vmem>>
    %dma_start3A_62 = tpu.memref_squeeze %dma_start3A_61 : memref<1x128xi32, #tpu.memory_space<vmem>> -> memref<128xi32, #tpu.memory_space<vmem>>
    %dma_start3A_63 = arith.constant 0 : i32
    %dma_start3A_64 = arith.constant 0 : i32
    %dma_start3A_65 = tpu.memref_slice %arg2[%dma_start3A_63, %dma_start3A_64] : memref<100000x128xf32, #tpu.memory_space<hbm>> -> memref<100000x128xf32, #tpu.memory_space<hbm>>
    tpu.enqueue_indirect_dma source(%dma_start3A_65 : memref<100000x128xf32, #tpu.memory_space<hbm>>) target(%arg8 : memref<128x128xf32, #tpu.memory_space<vmem>>) offsets(%dma_start3A_62 : memref<128xi32, #tpu.memory_space<vmem>>) semaphore(%arg12 : memref<!tpu.dma_semaphore, #tpu.memory_space<semaphore_mem>>)
    %dma_start3A_66 = arith.constant 1 : i32
    %dma_start3A_67 = arith.constant 0 : i32
    %dma_start3A_68 = tpu.memref_slice %arg7[%dma_start3A_66, %dma_start3A_67] : memref<12x128xi32, #tpu.memory_space<vmem>> -> memref<1x128xi32, #tpu.memory_space<vmem>>
    %dma_start3A_69 = tpu.memref_squeeze %dma_start3A_68 : memref<1x128xi32, #tpu.memory_space<vmem>> -> memref<128xi32, #tpu.memory_space<vmem>>
    %dma_start3A_70 = arith.constant 0 : i32
    %dma_start3A_71 = arith.constant 0 : i32
    %dma_start3A_72 = tpu.memref_slice %arg2[%dma_start3A_70, %dma_start3A_71] : memref<100000x128xf32, #tpu.memory_space<hbm>> -> memref<100000x128xf32, #tpu.memory_space<hbm>>
    tpu.enqueue_indirect_dma source(%dma_start3A_72 : memref<100000x128xf32, #tpu.memory_space<hbm>>) target(%arg9 : memref<128x128xf32, #tpu.memory_space<vmem>>) offsets(%dma_start3A_69 : memref<128xi32, #tpu.memory_space<vmem>>) semaphore(%arg13 : memref<!tpu.dma_semaphore, #tpu.memory_space<semaphore_mem>>)
    %dma_start3A_73 = arith.constant 2 : i32
    %dma_start3A_74 = arith.constant 0 : i32
    %dma_start3A_75 = tpu.memref_slice %arg7[%dma_start3A_73, %dma_start3A_74] : memref<12x128xi32, #tpu.memory_space<vmem>> -> memref<1x128xi32, #tpu.memory_space<vmem>>
    %dma_start3A_76 = tpu.memref_squeeze %dma_start3A_75 : memref<1x128xi32, #tpu.memory_space<vmem>> -> memref<128xi32, #tpu.memory_space<vmem>>
    %dma_start3A_77 = arith.constant 0 : i32
    %dma_start3A_78 = arith.constant 0 : i32
    %dma_start3A_79 = tpu.memref_slice %arg2[%dma_start3A_77, %dma_start3A_78] : memref<100000x128xf32, #tpu.memory_space<hbm>> -> memref<100000x128xf32, #tpu.memory_space<hbm>>
    tpu.enqueue_indirect_dma source(%dma_start3A_79 : memref<100000x128xf32, #tpu.memory_space<hbm>>) target(%arg10 : memref<128x128xf32, #tpu.memory_space<vmem>>) offsets(%dma_start3A_76 : memref<128xi32, #tpu.memory_space<vmem>>) semaphore(%arg14 : memref<!tpu.dma_semaphore, #tpu.memory_space<semaphore_mem>>)
    %dma_start3A_80 = arith.constant 3 : i32
    %dma_start3A_81 = arith.constant 0 : i32
    %dma_start3A_82 = tpu.memref_slice %arg7[%dma_start3A_80, %dma_start3A_81] : memref<12x128xi32, #tpu.memory_space<vmem>> -> memref<1x128xi32, #tpu.memory_space<vmem>>
    %dma_start3A_83 = tpu.memref_squeeze %dma_start3A_82 : memref<1x128xi32, #tpu.memory_space<vmem>> -> memref<128xi32, #tpu.memory_space<vmem>>
    %dma_start3A_84 = arith.constant 0 : i32
    %dma_start3A_85 = arith.constant 0 : i32
    %dma_start3A_86 = tpu.memref_slice %arg2[%dma_start3A_84, %dma_start3A_85] : memref<100000x128xf32, #tpu.memory_space<hbm>> -> memref<100000x128xf32, #tpu.memory_space<hbm>>
    tpu.enqueue_indirect_dma source(%dma_start3A_86 : memref<100000x128xf32, #tpu.memory_space<hbm>>) target(%arg11 : memref<128x128xf32, #tpu.memory_space<vmem>>) offsets(%dma_start3A_83 : memref<128xi32, #tpu.memory_space<vmem>>) semaphore(%arg15 : memref<!tpu.dma_semaphore, #tpu.memory_space<semaphore_mem>>)
    %dma_wait3A = arith.constant 0 : i32
    %dma_wait3A_87 = arith.constant 0 : i32
    %dma_wait3A_88 = tpu.memref_slice %arg7[%dma_wait3A, %dma_wait3A_87] : memref<12x128xi32, #tpu.memory_space<vmem>> -> memref<1x128xi32, #tpu.memory_space<vmem>>
    %dma_wait3A_89 = tpu.memref_squeeze %dma_wait3A_88 : memref<1x128xi32, #tpu.memory_space<vmem>> -> memref<128xi32, #tpu.memory_space<vmem>>
    %dma_wait3A_90 = arith.constant 0 : i32
    %dma_wait3A_91 = arith.constant 0 : i32
    %dma_wait3A_92 = tpu.memref_slice %arg2[%dma_wait3A_90, %dma_wait3A_91] : memref<100000x128xf32, #tpu.memory_space<hbm>> -> memref<100000x128xf32, #tpu.memory_space<hbm>>
    tpu.wait_indirect_dma semaphore(%arg12 : memref<!tpu.dma_semaphore, #tpu.memory_space<semaphore_mem>>) src(%dma_wait3A_92 : memref<100000x128xf32, #tpu.memory_space<hbm>>) dst(%arg8 : memref<128x128xf32, #tpu.memory_space<vmem>>)
    %mul3A_93 = arith.constant 512 : i32
    %mul3A_94 = arith.muli %add3A, %mul3A_93 : i32
    %add3A_95 = arith.constant 0 : i32
    %add3A_96 = arith.addi %add3A_95, %mul3A_94 : i32
    %add3A_97 = arith.constant 0 : i32
    %add3A_98 = arith.addi %add3A_96, %add3A_97 : i32
    %dma_start3A_99 = arith.constant 0 : i32
    %dma_start3A_100 = tpu.memref_slice %arg6[%add3A_98, %dma_start3A_99] : memref<49152x128xf32, #tpu.memory_space<hbm>> -> memref<128x128xf32, #tpu.memory_space<hbm>>
    %dma_start3A_101 = arith.constant 0 : i32
    %dma_start3A_102 = tpu.memref_slice %arg6[%add3A_98, %dma_start3A_101] : memref<49152x128xf32, #tpu.memory_space<hbm>> -> memref<128x128xf32, #tpu.memory_space<hbm>>
    tpu.enqueue_dma source(%arg8 : memref<128x128xf32, #tpu.memory_space<vmem>>) target(%dma_start3A_102 : memref<128x128xf32, #tpu.memory_space<hbm>>) target_semaphore(%arg16 : memref<!tpu.dma_semaphore, #tpu.memory_space<semaphore_mem>>)
    %dma_wait3A_103 = arith.constant 0 : i32
    %dma_wait3A_104 = tpu.memref_slice %arg6[%add3A_98, %dma_wait3A_103] : memref<49152x128xf32, #tpu.memory_space<hbm>> -> memref<128x128xf32, #tpu.memory_space<hbm>>
    %dma_wait3A_105 = arith.constant 0 : i32
    %dma_wait3A_106 = tpu.memref_slice %arg6[%add3A_98, %dma_wait3A_105] : memref<49152x128xf32, #tpu.memory_space<hbm>> -> memref<128x128xf32, #tpu.memory_space<hbm>>
    tpu.wait_dma2 semaphore(%arg16 : memref<!tpu.dma_semaphore, #tpu.memory_space<semaphore_mem>>) src(%arg8 : memref<128x128xf32, #tpu.memory_space<vmem>>) dst(%dma_wait3A_106 : memref<128x128xf32, #tpu.memory_space<hbm>>)
    %dma_start3A_107 = arith.constant 4 : i32
    %dma_start3A_108 = arith.constant 0 : i32
    %dma_start3A_109 = tpu.memref_slice %arg7[%dma_start3A_107, %dma_start3A_108] : memref<12x128xi32, #tpu.memory_space<vmem>> -> memref<1x128xi32, #tpu.memory_space<vmem>>
    %dma_start3A_110 = tpu.memref_squeeze %dma_start3A_109 : memref<1x128xi32, #tpu.memory_space<vmem>> -> memref<128xi32, #tpu.memory_space<vmem>>
    %dma_start3A_111 = arith.constant 0 : i32
    %dma_start3A_112 = arith.constant 0 : i32
    %dma_start3A_113 = tpu.memref_slice %arg2[%dma_start3A_111, %dma_start3A_112] : memref<100000x128xf32, #tpu.memory_space<hbm>> -> memref<100000x128xf32, #tpu.memory_space<hbm>>
    tpu.enqueue_indirect_dma source(%dma_start3A_113 : memref<100000x128xf32, #tpu.memory_space<hbm>>) target(%arg8 : memref<128x128xf32, #tpu.memory_space<vmem>>) offsets(%dma_start3A_110 : memref<128xi32, #tpu.memory_space<vmem>>) semaphore(%arg12 : memref<!tpu.dma_semaphore, #tpu.memory_space<semaphore_mem>>)
    %dma_wait3A_114 = arith.constant 1 : i32
    %dma_wait3A_115 = arith.constant 0 : i32
    %dma_wait3A_116 = tpu.memref_slice %arg7[%dma_wait3A_114, %dma_wait3A_115] : memref<12x128xi32, #tpu.memory_space<vmem>> -> memref<1x128xi32, #tpu.memory_space<vmem>>
    %dma_wait3A_117 = tpu.memref_squeeze %dma_wait3A_116 : memref<1x128xi32, #tpu.memory_space<vmem>> -> memref<128xi32, #tpu.memory_space<vmem>>
    %dma_wait3A_118 = arith.constant 0 : i32
    %dma_wait3A_119 = arith.constant 0 : i32
    %dma_wait3A_120 = tpu.memref_slice %arg2[%dma_wait3A_118, %dma_wait3A_119] : memref<100000x128xf32, #tpu.memory_space<hbm>> -> memref<100000x128xf32, #tpu.memory_space<hbm>>
    tpu.wait_indirect_dma semaphore(%arg13 : memref<!tpu.dma_semaphore, #tpu.memory_space<semaphore_mem>>) src(%dma_wait3A_120 : memref<100000x128xf32, #tpu.memory_space<hbm>>) dst(%arg9 : memref<128x128xf32, #tpu.memory_space<vmem>>)
    %mul3A_121 = arith.constant 512 : i32
    %mul3A_122 = arith.muli %add3A, %mul3A_121 : i32
    %add3A_123 = arith.constant 0 : i32
    %add3A_124 = arith.addi %add3A_123, %mul3A_122 : i32
    %add3A_125 = arith.constant 128 : i32
    %add3A_126 = arith.addi %add3A_124, %add3A_125 : i32
    %dma_start3A_127 = arith.constant 0 : i32
    %dma_start3A_128 = tpu.memref_slice %arg6[%add3A_126, %dma_start3A_127] : memref<49152x128xf32, #tpu.memory_space<hbm>> -> memref<128x128xf32, #tpu.memory_space<hbm>>
    %dma_start3A_129 = arith.constant 0 : i32
    %dma_start3A_130 = tpu.memref_slice %arg6[%add3A_126, %dma_start3A_129] : memref<49152x128xf32, #tpu.memory_space<hbm>> -> memref<128x128xf32, #tpu.memory_space<hbm>>
    tpu.enqueue_dma source(%arg9 : memref<128x128xf32, #tpu.memory_space<vmem>>) target(%dma_start3A_130 : memref<128x128xf32, #tpu.memory_space<hbm>>) target_semaphore(%arg17 : memref<!tpu.dma_semaphore, #tpu.memory_space<semaphore_mem>>)
    %dma_wait3A_131 = arith.constant 0 : i32
    %dma_wait3A_132 = tpu.memref_slice %arg6[%add3A_126, %dma_wait3A_131] : memref<49152x128xf32, #tpu.memory_space<hbm>> -> memref<128x128xf32, #tpu.memory_space<hbm>>
    %dma_wait3A_133 = arith.constant 0 : i32
    %dma_wait3A_134 = tpu.memref_slice %arg6[%add3A_126, %dma_wait3A_133] : memref<49152x128xf32, #tpu.memory_space<hbm>> -> memref<128x128xf32, #tpu.memory_space<hbm>>
    tpu.wait_dma2 semaphore(%arg17 : memref<!tpu.dma_semaphore, #tpu.memory_space<semaphore_mem>>) src(%arg9 : memref<128x128xf32, #tpu.memory_space<vmem>>) dst(%dma_wait3A_134 : memref<128x128xf32, #tpu.memory_space<hbm>>)
    %dma_start3A_135 = arith.constant 5 : i32
    %dma_start3A_136 = arith.constant 0 : i32
    %dma_start3A_137 = tpu.memref_slice %arg7[%dma_start3A_135, %dma_start3A_136] : memref<12x128xi32, #tpu.memory_space<vmem>> -> memref<1x128xi32, #tpu.memory_space<vmem>>
    %dma_start3A_138 = tpu.memref_squeeze %dma_start3A_137 : memref<1x128xi32, #tpu.memory_space<vmem>> -> memref<128xi32, #tpu.memory_space<vmem>>
    %dma_start3A_139 = arith.constant 0 : i32
    %dma_start3A_140 = arith.constant 0 : i32
    %dma_start3A_141 = tpu.memref_slice %arg2[%dma_start3A_139, %dma_start3A_140] : memref<100000x128xf32, #tpu.memory_space<hbm>> -> memref<100000x128xf32, #tpu.memory_space<hbm>>
    tpu.enqueue_indirect_dma source(%dma_start3A_141 : memref<100000x128xf32, #tpu.memory_space<hbm>>) target(%arg9 : memref<128x128xf32, #tpu.memory_space<vmem>>) offsets(%dma_start3A_138 : memref<128xi32, #tpu.memory_space<vmem>>) semaphore(%arg13 : memref<!tpu.dma_semaphore, #tpu.memory_space<semaphore_mem>>)
    %dma_wait3A_142 = arith.constant 2 : i32
    %dma_wait3A_143 = arith.constant 0 : i32
    %dma_wait3A_144 = tpu.memref_slice %arg7[%dma_wait3A_142, %dma_wait3A_143] : memref<12x128xi32, #tpu.memory_space<vmem>> -> memref<1x128xi32, #tpu.memory_space<vmem>>
    %dma_wait3A_145 = tpu.memref_squeeze %dma_wait3A_144 : memref<1x128xi32, #tpu.memory_space<vmem>> -> memref<128xi32, #tpu.memory_space<vmem>>
    %dma_wait3A_146 = arith.constant 0 : i32
    %dma_wait3A_147 = arith.constant 0 : i32
    %dma_wait3A_148 = tpu.memref_slice %arg2[%dma_wait3A_146, %dma_wait3A_147] : memref<100000x128xf32, #tpu.memory_space<hbm>> -> memref<100000x128xf32, #tpu.memory_space<hbm>>
    tpu.wait_indirect_dma semaphore(%arg14 : memref<!tpu.dma_semaphore, #tpu.memory_space<semaphore_mem>>) src(%dma_wait3A_148 : memref<100000x128xf32, #tpu.memory_space<hbm>>) dst(%arg10 : memref<128x128xf32, #tpu.memory_space<vmem>>)
    %mul3A_149 = arith.constant 512 : i32
    %mul3A_150 = arith.muli %add3A, %mul3A_149 : i32
    %add3A_151 = arith.constant 0 : i32
    %add3A_152 = arith.addi %add3A_151, %mul3A_150 : i32
    %add3A_153 = arith.constant 256 : i32
    %add3A_154 = arith.addi %add3A_152, %add3A_153 : i32
    %dma_start3A_155 = arith.constant 0 : i32
    %dma_start3A_156 = tpu.memref_slice %arg6[%add3A_154, %dma_start3A_155] : memref<49152x128xf32, #tpu.memory_space<hbm>> -> memref<128x128xf32, #tpu.memory_space<hbm>>
    %dma_start3A_157 = arith.constant 0 : i32
    %dma_start3A_158 = tpu.memref_slice %arg6[%add3A_154, %dma_start3A_157] : memref<49152x128xf32, #tpu.memory_space<hbm>> -> memref<128x128xf32, #tpu.memory_space<hbm>>
    tpu.enqueue_dma source(%arg10 : memref<128x128xf32, #tpu.memory_space<vmem>>) target(%dma_start3A_158 : memref<128x128xf32, #tpu.memory_space<hbm>>) target_semaphore(%arg18 : memref<!tpu.dma_semaphore, #tpu.memory_space<semaphore_mem>>)
    %dma_wait3A_159 = arith.constant 0 : i32
    %dma_wait3A_160 = tpu.memref_slice %arg6[%add3A_154, %dma_wait3A_159] : memref<49152x128xf32, #tpu.memory_space<hbm>> -> memref<128x128xf32, #tpu.memory_space<hbm>>
    %dma_wait3A_161 = arith.constant 0 : i32
    %dma_wait3A_162 = tpu.memref_slice %arg6[%add3A_154, %dma_wait3A_161] : memref<49152x128xf32, #tpu.memory_space<hbm>> -> memref<128x128xf32, #tpu.memory_space<hbm>>
    tpu.wait_dma2 semaphore(%arg18 : memref<!tpu.dma_semaphore, #tpu.memory_space<semaphore_mem>>) src(%arg10 : memref<128x128xf32, #tpu.memory_space<vmem>>) dst(%dma_wait3A_162 : memref<128x128xf32, #tpu.memory_space<hbm>>)
    %dma_start3A_163 = arith.constant 6 : i32
    %dma_start3A_164 = arith.constant 0 : i32
    %dma_start3A_165 = tpu.memref_slice %arg7[%dma_start3A_163, %dma_start3A_164] : memref<12x128xi32, #tpu.memory_space<vmem>> -> memref<1x128xi32, #tpu.memory_space<vmem>>
    %dma_start3A_166 = tpu.memref_squeeze %dma_start3A_165 : memref<1x128xi32, #tpu.memory_space<vmem>> -> memref<128xi32, #tpu.memory_space<vmem>>
    %dma_start3A_167 = arith.constant 0 : i32
    %dma_start3A_168 = arith.constant 0 : i32
    %dma_start3A_169 = tpu.memref_slice %arg2[%dma_start3A_167, %dma_start3A_168] : memref<100000x128xf32, #tpu.memory_space<hbm>> -> memref<100000x128xf32, #tpu.memory_space<hbm>>
    tpu.enqueue_indirect_dma source(%dma_start3A_169 : memref<100000x128xf32, #tpu.memory_space<hbm>>) target(%arg10 : memref<128x128xf32, #tpu.memory_space<vmem>>) offsets(%dma_start3A_166 : memref<128xi32, #tpu.memory_space<vmem>>) semaphore(%arg14 : memref<!tpu.dma_semaphore, #tpu.memory_space<semaphore_mem>>)
    %dma_wait3A_170 = arith.constant 3 : i32
    %dma_wait3A_171 = arith.constant 0 : i32
    %dma_wait3A_172 = tpu.memref_slice %arg7[%dma_wait3A_170, %dma_wait3A_171] : memref<12x128xi32, #tpu.memory_space<vmem>> -> memref<1x128xi32, #tpu.memory_space<vmem>>
    %dma_wait3A_173 = tpu.memref_squeeze %dma_wait3A_172 : memref<1x128xi32, #tpu.memory_space<vmem>> -> memref<128xi32, #tpu.memory_space<vmem>>
    %dma_wait3A_174 = arith.constant 0 : i32
    %dma_wait3A_175 = arith.constant 0 : i32
    %dma_wait3A_176 = tpu.memref_slice %arg2[%dma_wait3A_174, %dma_wait3A_175] : memref<100000x128xf32, #tpu.memory_space<hbm>> -> memref<100000x128xf32, #tpu.memory_space<hbm>>
    tpu.wait_indirect_dma semaphore(%arg15 : memref<!tpu.dma_semaphore, #tpu.memory_space<semaphore_mem>>) src(%dma_wait3A_176 : memref<100000x128xf32, #tpu.memory_space<hbm>>) dst(%arg11 : memref<128x128xf32, #tpu.memory_space<vmem>>)
    %mul3A_177 = arith.constant 512 : i32
    %mul3A_178 = arith.muli %add3A, %mul3A_177 : i32
    %add3A_179 = arith.constant 0 : i32
    %add3A_180 = arith.addi %add3A_179, %mul3A_178 : i32
    %add3A_181 = arith.constant 384 : i32
    %add3A_182 = arith.addi %add3A_180, %add3A_181 : i32
    %dma_start3A_183 = arith.constant 0 : i32
    %dma_start3A_184 = tpu.memref_slice %arg6[%add3A_182, %dma_start3A_183] : memref<49152x128xf32, #tpu.memory_space<hbm>> -> memref<128x128xf32, #tpu.memory_space<hbm>>
    %dma_start3A_185 = arith.constant 0 : i32
    %dma_start3A_186 = tpu.memref_slice %arg6[%add3A_182, %dma_start3A_185] : memref<49152x128xf32, #tpu.memory_space<hbm>> -> memref<128x128xf32, #tpu.memory_space<hbm>>
    tpu.enqueue_dma source(%arg11 : memref<128x128xf32, #tpu.memory_space<vmem>>) target(%dma_start3A_186 : memref<128x128xf32, #tpu.memory_space<hbm>>) target_semaphore(%arg19 : memref<!tpu.dma_semaphore, #tpu.memory_space<semaphore_mem>>)
    %dma_wait3A_187 = arith.constant 0 : i32
    %dma_wait3A_188 = tpu.memref_slice %arg6[%add3A_182, %dma_wait3A_187] : memref<49152x128xf32, #tpu.memory_space<hbm>> -> memref<128x128xf32, #tpu.memory_space<hbm>>
    %dma_wait3A_189 = arith.constant 0 : i32
    %dma_wait3A_190 = tpu.memref_slice %arg6[%add3A_182, %dma_wait3A_189] : memref<49152x128xf32, #tpu.memory_space<hbm>> -> memref<128x128xf32, #tpu.memory_space<hbm>>
    tpu.wait_dma2 semaphore(%arg19 : memref<!tpu.dma_semaphore, #tpu.memory_space<semaphore_mem>>) src(%arg11 : memref<128x128xf32, #tpu.memory_space<vmem>>) dst(%dma_wait3A_190 : memref<128x128xf32, #tpu.memory_space<hbm>>)
    %dma_start3A_191 = arith.constant 7 : i32
    %dma_start3A_192 = arith.constant 0 : i32
    %dma_start3A_193 = tpu.memref_slice %arg7[%dma_start3A_191, %dma_start3A_192] : memref<12x128xi32, #tpu.memory_space<vmem>> -> memref<1x128xi32, #tpu.memory_space<vmem>>
    %dma_start3A_194 = tpu.memref_squeeze %dma_start3A_193 : memref<1x128xi32, #tpu.memory_space<vmem>> -> memref<128xi32, #tpu.memory_space<vmem>>
    %dma_start3A_195 = arith.constant 0 : i32
    %dma_start3A_196 = arith.constant 0 : i32
    %dma_start3A_197 = tpu.memref_slice %arg2[%dma_start3A_195, %dma_start3A_196] : memref<100000x128xf32, #tpu.memory_space<hbm>> -> memref<100000x128xf32, #tpu.memory_space<hbm>>
    tpu.enqueue_indirect_dma source(%dma_start3A_197 : memref<100000x128xf32, #tpu.memory_space<hbm>>) target(%arg11 : memref<128x128xf32, #tpu.memory_space<vmem>>) offsets(%dma_start3A_194 : memref<128xi32, #tpu.memory_space<vmem>>) semaphore(%arg15 : memref<!tpu.dma_semaphore, #tpu.memory_space<semaphore_mem>>)
    %dma_wait3A_198 = arith.constant 4 : i32
    %dma_wait3A_199 = arith.constant 0 : i32
    %dma_wait3A_200 = tpu.memref_slice %arg7[%dma_wait3A_198, %dma_wait3A_199] : memref<12x128xi32, #tpu.memory_space<vmem>> -> memref<1x128xi32, #tpu.memory_space<vmem>>
    %dma_wait3A_201 = tpu.memref_squeeze %dma_wait3A_200 : memref<1x128xi32, #tpu.memory_space<vmem>> -> memref<128xi32, #tpu.memory_space<vmem>>
    %dma_wait3A_202 = arith.constant 0 : i32
    %dma_wait3A_203 = arith.constant 0 : i32
    %dma_wait3A_204 = tpu.memref_slice %arg2[%dma_wait3A_202, %dma_wait3A_203] : memref<100000x128xf32, #tpu.memory_space<hbm>> -> memref<100000x128xf32, #tpu.memory_space<hbm>>
    tpu.wait_indirect_dma semaphore(%arg12 : memref<!tpu.dma_semaphore, #tpu.memory_space<semaphore_mem>>) src(%dma_wait3A_204 : memref<100000x128xf32, #tpu.memory_space<hbm>>) dst(%arg8 : memref<128x128xf32, #tpu.memory_space<vmem>>)
    %mul3A_205 = arith.constant 512 : i32
    %mul3A_206 = arith.muli %add3A, %mul3A_205 : i32
    %add3A_207 = arith.constant 16384 : i32
    %add3A_208 = arith.addi %add3A_207, %mul3A_206 : i32
    %add3A_209 = arith.constant 0 : i32
    %add3A_210 = arith.addi %add3A_208, %add3A_209 : i32
    %dma_start3A_211 = arith.constant 0 : i32
    %dma_start3A_212 = tpu.memref_slice %arg6[%add3A_210, %dma_start3A_211] : memref<49152x128xf32, #tpu.memory_space<hbm>> -> memref<128x128xf32, #tpu.memory_space<hbm>>
    %dma_start3A_213 = arith.constant 0 : i32
    %dma_start3A_214 = tpu.memref_slice %arg6[%add3A_210, %dma_start3A_213] : memref<49152x128xf32, #tpu.memory_space<hbm>> -> memref<128x128xf32, #tpu.memory_space<hbm>>
    tpu.enqueue_dma source(%arg8 : memref<128x128xf32, #tpu.memory_space<vmem>>) target(%dma_start3A_214 : memref<128x128xf32, #tpu.memory_space<hbm>>) target_semaphore(%arg16 : memref<!tpu.dma_semaphore, #tpu.memory_space<semaphore_mem>>)
    %dma_wait3A_215 = arith.constant 0 : i32
    %dma_wait3A_216 = tpu.memref_slice %arg6[%add3A_210, %dma_wait3A_215] : memref<49152x128xf32, #tpu.memory_space<hbm>> -> memref<128x128xf32, #tpu.memory_space<hbm>>
    %dma_wait3A_217 = arith.constant 0 : i32
    %dma_wait3A_218 = tpu.memref_slice %arg6[%add3A_210, %dma_wait3A_217] : memref<49152x128xf32, #tpu.memory_space<hbm>> -> memref<128x128xf32, #tpu.memory_space<hbm>>
    tpu.wait_dma2 semaphore(%arg16 : memref<!tpu.dma_semaphore, #tpu.memory_space<semaphore_mem>>) src(%arg8 : memref<128x128xf32, #tpu.memory_space<vmem>>) dst(%dma_wait3A_218 : memref<128x128xf32, #tpu.memory_space<hbm>>)
    %dma_start3A_219 = arith.constant 8 : i32
    %dma_start3A_220 = arith.constant 0 : i32
    %dma_start3A_221 = tpu.memref_slice %arg7[%dma_start3A_219, %dma_start3A_220] : memref<12x128xi32, #tpu.memory_space<vmem>> -> memref<1x128xi32, #tpu.memory_space<vmem>>
    %dma_start3A_222 = tpu.memref_squeeze %dma_start3A_221 : memref<1x128xi32, #tpu.memory_space<vmem>> -> memref<128xi32, #tpu.memory_space<vmem>>
    %dma_start3A_223 = arith.constant 0 : i32
    %dma_start3A_224 = arith.constant 0 : i32
    %dma_start3A_225 = tpu.memref_slice %arg2[%dma_start3A_223, %dma_start3A_224] : memref<100000x128xf32, #tpu.memory_space<hbm>> -> memref<100000x128xf32, #tpu.memory_space<hbm>>
    tpu.enqueue_indirect_dma source(%dma_start3A_225 : memref<100000x128xf32, #tpu.memory_space<hbm>>) target(%arg8 : memref<128x128xf32, #tpu.memory_space<vmem>>) offsets(%dma_start3A_222 : memref<128xi32, #tpu.memory_space<vmem>>) semaphore(%arg12 : memref<!tpu.dma_semaphore, #tpu.memory_space<semaphore_mem>>)
    %dma_wait3A_226 = arith.constant 5 : i32
    %dma_wait3A_227 = arith.constant 0 : i32
    %dma_wait3A_228 = tpu.memref_slice %arg7[%dma_wait3A_226, %dma_wait3A_227] : memref<12x128xi32, #tpu.memory_space<vmem>> -> memref<1x128xi32, #tpu.memory_space<vmem>>
    %dma_wait3A_229 = tpu.memref_squeeze %dma_wait3A_228 : memref<1x128xi32, #tpu.memory_space<vmem>> -> memref<128xi32, #tpu.memory_space<vmem>>
    %dma_wait3A_230 = arith.constant 0 : i32
    %dma_wait3A_231 = arith.constant 0 : i32
    %dma_wait3A_232 = tpu.memref_slice %arg2[%dma_wait3A_230, %dma_wait3A_231] : memref<100000x128xf32, #tpu.memory_space<hbm>> -> memref<100000x128xf32, #tpu.memory_space<hbm>>
    tpu.wait_indirect_dma semaphore(%arg13 : memref<!tpu.dma_semaphore, #tpu.memory_space<semaphore_mem>>) src(%dma_wait3A_232 : memref<100000x128xf32, #tpu.memory_space<hbm>>) dst(%arg9 : memref<128x128xf32, #tpu.memory_space<vmem>>)
    %mul3A_233 = arith.constant 512 : i32
    %mul3A_234 = arith.muli %add3A, %mul3A_233 : i32
    %add3A_235 = arith.constant 16384 : i32
    %add3A_236 = arith.addi %add3A_235, %mul3A_234 : i32
    %add3A_237 = arith.constant 128 : i32
    %add3A_238 = arith.addi %add3A_236, %add3A_237 : i32
    %dma_start3A_239 = arith.constant 0 : i32
    %dma_start3A_240 = tpu.memref_slice %arg6[%add3A_238, %dma_start3A_239] : memref<49152x128xf32, #tpu.memory_space<hbm>> -> memref<128x128xf32, #tpu.memory_space<hbm>>
    %dma_start3A_241 = arith.constant 0 : i32
    %dma_start3A_242 = tpu.memref_slice %arg6[%add3A_238, %dma_start3A_241] : memref<49152x128xf32, #tpu.memory_space<hbm>> -> memref<128x128xf32, #tpu.memory_space<hbm>>
    tpu.enqueue_dma source(%arg9 : memref<128x128xf32, #tpu.memory_space<vmem>>) target(%dma_start3A_242 : memref<128x128xf32, #tpu.memory_space<hbm>>) target_semaphore(%arg17 : memref<!tpu.dma_semaphore, #tpu.memory_space<semaphore_mem>>)
    %dma_wait3A_243 = arith.constant 0 : i32
    %dma_wait3A_244 = tpu.memref_slice %arg6[%add3A_238, %dma_wait3A_243] : memref<49152x128xf32, #tpu.memory_space<hbm>> -> memref<128x128xf32, #tpu.memory_space<hbm>>
    %dma_wait3A_245 = arith.constant 0 : i32
    %dma_wait3A_246 = tpu.memref_slice %arg6[%add3A_238, %dma_wait3A_245] : memref<49152x128xf32, #tpu.memory_space<hbm>> -> memref<128x128xf32, #tpu.memory_space<hbm>>
    tpu.wait_dma2 semaphore(%arg17 : memref<!tpu.dma_semaphore, #tpu.memory_space<semaphore_mem>>) src(%arg9 : memref<128x128xf32, #tpu.memory_space<vmem>>) dst(%dma_wait3A_246 : memref<128x128xf32, #tpu.memory_space<hbm>>)
    %dma_start3A_247 = arith.constant 9 : i32
    %dma_start3A_248 = arith.constant 0 : i32
    %dma_start3A_249 = tpu.memref_slice %arg7[%dma_start3A_247, %dma_start3A_248] : memref<12x128xi32, #tpu.memory_space<vmem>> -> memref<1x128xi32, #tpu.memory_space<vmem>>
    %dma_start3A_250 = tpu.memref_squeeze %dma_start3A_249 : memref<1x128xi32, #tpu.memory_space<vmem>> -> memref<128xi32, #tpu.memory_space<vmem>>
    %dma_start3A_251 = arith.constant 0 : i32
    %dma_start3A_252 = arith.constant 0 : i32
    %dma_start3A_253 = tpu.memref_slice %arg2[%dma_start3A_251, %dma_start3A_252] : memref<100000x128xf32, #tpu.memory_space<hbm>> -> memref<100000x128xf32, #tpu.memory_space<hbm>>
    tpu.enqueue_indirect_dma source(%dma_start3A_253 : memref<100000x128xf32, #tpu.memory_space<hbm>>) target(%arg9 : memref<128x128xf32, #tpu.memory_space<vmem>>) offsets(%dma_start3A_250 : memref<128xi32, #tpu.memory_space<vmem>>) semaphore(%arg13 : memref<!tpu.dma_semaphore, #tpu.memory_space<semaphore_mem>>)
    %dma_wait3A_254 = arith.constant 6 : i32
    %dma_wait3A_255 = arith.constant 0 : i32
    %dma_wait3A_256 = tpu.memref_slice %arg7[%dma_wait3A_254, %dma_wait3A_255] : memref<12x128xi32, #tpu.memory_space<vmem>> -> memref<1x128xi32, #tpu.memory_space<vmem>>
    %dma_wait3A_257 = tpu.memref_squeeze %dma_wait3A_256 : memref<1x128xi32, #tpu.memory_space<vmem>> -> memref<128xi32, #tpu.memory_space<vmem>>
    %dma_wait3A_258 = arith.constant 0 : i32
    %dma_wait3A_259 = arith.constant 0 : i32
    %dma_wait3A_260 = tpu.memref_slice %arg2[%dma_wait3A_258, %dma_wait3A_259] : memref<100000x128xf32, #tpu.memory_space<hbm>> -> memref<100000x128xf32, #tpu.memory_space<hbm>>
    tpu.wait_indirect_dma semaphore(%arg14 : memref<!tpu.dma_semaphore, #tpu.memory_space<semaphore_mem>>) src(%dma_wait3A_260 : memref<100000x128xf32, #tpu.memory_space<hbm>>) dst(%arg10 : memref<128x128xf32, #tpu.memory_space<vmem>>)
    %mul3A_261 = arith.constant 512 : i32
    %mul3A_262 = arith.muli %add3A, %mul3A_261 : i32
    %add3A_263 = arith.constant 16384 : i32
    %add3A_264 = arith.addi %add3A_263, %mul3A_262 : i32
    %add3A_265 = arith.constant 256 : i32
    %add3A_266 = arith.addi %add3A_264, %add3A_265 : i32
    %dma_start3A_267 = arith.constant 0 : i32
    %dma_start3A_268 = tpu.memref_slice %arg6[%add3A_266, %dma_start3A_267] : memref<49152x128xf32, #tpu.memory_space<hbm>> -> memref<128x128xf32, #tpu.memory_space<hbm>>
    %dma_start3A_269 = arith.constant 0 : i32
    %dma_start3A_270 = tpu.memref_slice %arg6[%add3A_266, %dma_start3A_269] : memref<49152x128xf32, #tpu.memory_space<hbm>> -> memref<128x128xf32, #tpu.memory_space<hbm>>
    tpu.enqueue_dma source(%arg10 : memref<128x128xf32, #tpu.memory_space<vmem>>) target(%dma_start3A_270 : memref<128x128xf32, #tpu.memory_space<hbm>>) target_semaphore(%arg18 : memref<!tpu.dma_semaphore, #tpu.memory_space<semaphore_mem>>)
    %dma_wait3A_271 = arith.constant 0 : i32
    %dma_wait3A_272 = tpu.memref_slice %arg6[%add3A_266, %dma_wait3A_271] : memref<49152x128xf32, #tpu.memory_space<hbm>> -> memref<128x128xf32, #tpu.memory_space<hbm>>
    %dma_wait3A_273 = arith.constant 0 : i32
    %dma_wait3A_274 = tpu.memref_slice %arg6[%add3A_266, %dma_wait3A_273] : memref<49152x128xf32, #tpu.memory_space<hbm>> -> memref<128x128xf32, #tpu.memory_space<hbm>>
    tpu.wait_dma2 semaphore(%arg18 : memref<!tpu.dma_semaphore, #tpu.memory_space<semaphore_mem>>) src(%arg10 : memref<128x128xf32, #tpu.memory_space<vmem>>) dst(%dma_wait3A_274 : memref<128x128xf32, #tpu.memory_space<hbm>>)
    %dma_start3A_275 = arith.constant 10 : i32
    %dma_start3A_276 = arith.constant 0 : i32
    %dma_start3A_277 = tpu.memref_slice %arg7[%dma_start3A_275, %dma_start3A_276] : memref<12x128xi32, #tpu.memory_space<vmem>> -> memref<1x128xi32, #tpu.memory_space<vmem>>
    %dma_start3A_278 = tpu.memref_squeeze %dma_start3A_277 : memref<1x128xi32, #tpu.memory_space<vmem>> -> memref<128xi32, #tpu.memory_space<vmem>>
    %dma_start3A_279 = arith.constant 0 : i32
    %dma_start3A_280 = arith.constant 0 : i32
    %dma_start3A_281 = tpu.memref_slice %arg2[%dma_start3A_279, %dma_start3A_280] : memref<100000x128xf32, #tpu.memory_space<hbm>> -> memref<100000x128xf32, #tpu.memory_space<hbm>>
    tpu.enqueue_indirect_dma source(%dma_start3A_281 : memref<100000x128xf32, #tpu.memory_space<hbm>>) target(%arg10 : memref<128x128xf32, #tpu.memory_space<vmem>>) offsets(%dma_start3A_278 : memref<128xi32, #tpu.memory_space<vmem>>) semaphore(%arg14 : memref<!tpu.dma_semaphore, #tpu.memory_space<semaphore_mem>>)
    %dma_wait3A_282 = arith.constant 7 : i32
    %dma_wait3A_283 = arith.constant 0 : i32
    %dma_wait3A_284 = tpu.memref_slice %arg7[%dma_wait3A_282, %dma_wait3A_283] : memref<12x128xi32, #tpu.memory_space<vmem>> -> memref<1x128xi32, #tpu.memory_space<vmem>>
    %dma_wait3A_285 = tpu.memref_squeeze %dma_wait3A_284 : memref<1x128xi32, #tpu.memory_space<vmem>> -> memref<128xi32, #tpu.memory_space<vmem>>
    %dma_wait3A_286 = arith.constant 0 : i32
    %dma_wait3A_287 = arith.constant 0 : i32
    %dma_wait3A_288 = tpu.memref_slice %arg2[%dma_wait3A_286, %dma_wait3A_287] : memref<100000x128xf32, #tpu.memory_space<hbm>> -> memref<100000x128xf32, #tpu.memory_space<hbm>>
    tpu.wait_indirect_dma semaphore(%arg15 : memref<!tpu.dma_semaphore, #tpu.memory_space<semaphore_mem>>) src(%dma_wait3A_288 : memref<100000x128xf32, #tpu.memory_space<hbm>>) dst(%arg11 : memref<128x128xf32, #tpu.memory_space<vmem>>)
    %mul3A_289 = arith.constant 512 : i32
    %mul3A_290 = arith.muli %add3A, %mul3A_289 : i32
    %add3A_291 = arith.constant 16384 : i32
    %add3A_292 = arith.addi %add3A_291, %mul3A_290 : i32
    %add3A_293 = arith.constant 384 : i32
    %add3A_294 = arith.addi %add3A_292, %add3A_293 : i32
    %dma_start3A_295 = arith.constant 0 : i32
    %dma_start3A_296 = tpu.memref_slice %arg6[%add3A_294, %dma_start3A_295] : memref<49152x128xf32, #tpu.memory_space<hbm>> -> memref<128x128xf32, #tpu.memory_space<hbm>>
    %dma_start3A_297 = arith.constant 0 : i32
    %dma_start3A_298 = tpu.memref_slice %arg6[%add3A_294, %dma_start3A_297] : memref<49152x128xf32, #tpu.memory_space<hbm>> -> memref<128x128xf32, #tpu.memory_space<hbm>>
    tpu.enqueue_dma source(%arg11 : memref<128x128xf32, #tpu.memory_space<vmem>>) target(%dma_start3A_298 : memref<128x128xf32, #tpu.memory_space<hbm>>) target_semaphore(%arg19 : memref<!tpu.dma_semaphore, #tpu.memory_space<semaphore_mem>>)
    %dma_wait3A_299 = arith.constant 0 : i32
    %dma_wait3A_300 = tpu.memref_slice %arg6[%add3A_294, %dma_wait3A_299] : memref<49152x128xf32, #tpu.memory_space<hbm>> -> memref<128x128xf32, #tpu.memory_space<hbm>>
    %dma_wait3A_301 = arith.constant 0 : i32
    %dma_wait3A_302 = tpu.memref_slice %arg6[%add3A_294, %dma_wait3A_301] : memref<49152x128xf32, #tpu.memory_space<hbm>> -> memref<128x128xf32, #tpu.memory_space<hbm>>
    tpu.wait_dma2 semaphore(%arg19 : memref<!tpu.dma_semaphore, #tpu.memory_space<semaphore_mem>>) src(%arg11 : memref<128x128xf32, #tpu.memory_space<vmem>>) dst(%dma_wait3A_302 : memref<128x128xf32, #tpu.memory_space<hbm>>)
    %dma_start3A_303 = arith.constant 11 : i32
    %dma_start3A_304 = arith.constant 0 : i32
    %dma_start3A_305 = tpu.memref_slice %arg7[%dma_start3A_303, %dma_start3A_304] : memref<12x128xi32, #tpu.memory_space<vmem>> -> memref<1x128xi32, #tpu.memory_space<vmem>>
    %dma_start3A_306 = tpu.memref_squeeze %dma_start3A_305 : memref<1x128xi32, #tpu.memory_space<vmem>> -> memref<128xi32, #tpu.memory_space<vmem>>
    %dma_start3A_307 = arith.constant 0 : i32
    %dma_start3A_308 = arith.constant 0 : i32
    %dma_start3A_309 = tpu.memref_slice %arg2[%dma_start3A_307, %dma_start3A_308] : memref<100000x128xf32, #tpu.memory_space<hbm>> -> memref<100000x128xf32, #tpu.memory_space<hbm>>
    tpu.enqueue_indirect_dma source(%dma_start3A_309 : memref<100000x128xf32, #tpu.memory_space<hbm>>) target(%arg11 : memref<128x128xf32, #tpu.memory_space<vmem>>) offsets(%dma_start3A_306 : memref<128xi32, #tpu.memory_space<vmem>>) semaphore(%arg15 : memref<!tpu.dma_semaphore, #tpu.memory_space<semaphore_mem>>)
    %dma_wait3A_310 = arith.constant 8 : i32
    %dma_wait3A_311 = arith.constant 0 : i32
    %dma_wait3A_312 = tpu.memref_slice %arg7[%dma_wait3A_310, %dma_wait3A_311] : memref<12x128xi32, #tpu.memory_space<vmem>> -> memref<1x128xi32, #tpu.memory_space<vmem>>
    %dma_wait3A_313 = tpu.memref_squeeze %dma_wait3A_312 : memref<1x128xi32, #tpu.memory_space<vmem>> -> memref<128xi32, #tpu.memory_space<vmem>>
    %dma_wait3A_314 = arith.constant 0 : i32
    %dma_wait3A_315 = arith.constant 0 : i32
    %dma_wait3A_316 = tpu.memref_slice %arg2[%dma_wait3A_314, %dma_wait3A_315] : memref<100000x128xf32, #tpu.memory_space<hbm>> -> memref<100000x128xf32, #tpu.memory_space<hbm>>
    tpu.wait_indirect_dma semaphore(%arg12 : memref<!tpu.dma_semaphore, #tpu.memory_space<semaphore_mem>>) src(%dma_wait3A_316 : memref<100000x128xf32, #tpu.memory_space<hbm>>) dst(%arg8 : memref<128x128xf32, #tpu.memory_space<vmem>>)
    %mul3A_317 = arith.constant 512 : i32
    %mul3A_318 = arith.muli %add3A, %mul3A_317 : i32
    %add3A_319 = arith.constant 32768 : i32
    %add3A_320 = arith.addi %add3A_319, %mul3A_318 : i32
    %add3A_321 = arith.constant 0 : i32
    %add3A_322 = arith.addi %add3A_320, %add3A_321 : i32
    %dma_start3A_323 = arith.constant 0 : i32
    %dma_start3A_324 = tpu.memref_slice %arg6[%add3A_322, %dma_start3A_323] : memref<49152x128xf32, #tpu.memory_space<hbm>> -> memref<128x128xf32, #tpu.memory_space<hbm>>
    %dma_start3A_325 = arith.constant 0 : i32
    %dma_start3A_326 = tpu.memref_slice %arg6[%add3A_322, %dma_start3A_325] : memref<49152x128xf32, #tpu.memory_space<hbm>> -> memref<128x128xf32, #tpu.memory_space<hbm>>
    tpu.enqueue_dma source(%arg8 : memref<128x128xf32, #tpu.memory_space<vmem>>) target(%dma_start3A_326 : memref<128x128xf32, #tpu.memory_space<hbm>>) target_semaphore(%arg16 : memref<!tpu.dma_semaphore, #tpu.memory_space<semaphore_mem>>)
    %dma_wait3A_327 = arith.constant 9 : i32
    %dma_wait3A_328 = arith.constant 0 : i32
    %dma_wait3A_329 = tpu.memref_slice %arg7[%dma_wait3A_327, %dma_wait3A_328] : memref<12x128xi32, #tpu.memory_space<vmem>> -> memref<1x128xi32, #tpu.memory_space<vmem>>
    %dma_wait3A_330 = tpu.memref_squeeze %dma_wait3A_329 : memref<1x128xi32, #tpu.memory_space<vmem>> -> memref<128xi32, #tpu.memory_space<vmem>>
    %dma_wait3A_331 = arith.constant 0 : i32
    %dma_wait3A_332 = arith.constant 0 : i32
    %dma_wait3A_333 = tpu.memref_slice %arg2[%dma_wait3A_331, %dma_wait3A_332] : memref<100000x128xf32, #tpu.memory_space<hbm>> -> memref<100000x128xf32, #tpu.memory_space<hbm>>
    tpu.wait_indirect_dma semaphore(%arg13 : memref<!tpu.dma_semaphore, #tpu.memory_space<semaphore_mem>>) src(%dma_wait3A_333 : memref<100000x128xf32, #tpu.memory_space<hbm>>) dst(%arg9 : memref<128x128xf32, #tpu.memory_space<vmem>>)
    %mul3A_334 = arith.constant 512 : i32
    %mul3A_335 = arith.muli %add3A, %mul3A_334 : i32
    %add3A_336 = arith.constant 32768 : i32
    %add3A_337 = arith.addi %add3A_336, %mul3A_335 : i32
    %add3A_338 = arith.constant 128 : i32
    %add3A_339 = arith.addi %add3A_337, %add3A_338 : i32
    %dma_start3A_340 = arith.constant 0 : i32
    %dma_start3A_341 = tpu.memref_slice %arg6[%add3A_339, %dma_start3A_340] : memref<49152x128xf32, #tpu.memory_space<hbm>> -> memref<128x128xf32, #tpu.memory_space<hbm>>
    %dma_start3A_342 = arith.constant 0 : i32
    %dma_start3A_343 = tpu.memref_slice %arg6[%add3A_339, %dma_start3A_342] : memref<49152x128xf32, #tpu.memory_space<hbm>> -> memref<128x128xf32, #tpu.memory_space<hbm>>
    tpu.enqueue_dma source(%arg9 : memref<128x128xf32, #tpu.memory_space<vmem>>) target(%dma_start3A_343 : memref<128x128xf32, #tpu.memory_space<hbm>>) target_semaphore(%arg17 : memref<!tpu.dma_semaphore, #tpu.memory_space<semaphore_mem>>)
    %dma_wait3A_344 = arith.constant 10 : i32
    %dma_wait3A_345 = arith.constant 0 : i32
    %dma_wait3A_346 = tpu.memref_slice %arg7[%dma_wait3A_344, %dma_wait3A_345] : memref<12x128xi32, #tpu.memory_space<vmem>> -> memref<1x128xi32, #tpu.memory_space<vmem>>
    %dma_wait3A_347 = tpu.memref_squeeze %dma_wait3A_346 : memref<1x128xi32, #tpu.memory_space<vmem>> -> memref<128xi32, #tpu.memory_space<vmem>>
    %dma_wait3A_348 = arith.constant 0 : i32
    %dma_wait3A_349 = arith.constant 0 : i32
    %dma_wait3A_350 = tpu.memref_slice %arg2[%dma_wait3A_348, %dma_wait3A_349] : memref<100000x128xf32, #tpu.memory_space<hbm>> -> memref<100000x128xf32, #tpu.memory_space<hbm>>
    tpu.wait_indirect_dma semaphore(%arg14 : memref<!tpu.dma_semaphore, #tpu.memory_space<semaphore_mem>>) src(%dma_wait3A_350 : memref<100000x128xf32, #tpu.memory_space<hbm>>) dst(%arg10 : memref<128x128xf32, #tpu.memory_space<vmem>>)
    %mul3A_351 = arith.constant 512 : i32
    %mul3A_352 = arith.muli %add3A, %mul3A_351 : i32
    %add3A_353 = arith.constant 32768 : i32
    %add3A_354 = arith.addi %add3A_353, %mul3A_352 : i32
    %add3A_355 = arith.constant 256 : i32
    %add3A_356 = arith.addi %add3A_354, %add3A_355 : i32
    %dma_start3A_357 = arith.constant 0 : i32
    %dma_start3A_358 = tpu.memref_slice %arg6[%add3A_356, %dma_start3A_357] : memref<49152x128xf32, #tpu.memory_space<hbm>> -> memref<128x128xf32, #tpu.memory_space<hbm>>
    %dma_start3A_359 = arith.constant 0 : i32
    %dma_start3A_360 = tpu.memref_slice %arg6[%add3A_356, %dma_start3A_359] : memref<49152x128xf32, #tpu.memory_space<hbm>> -> memref<128x128xf32, #tpu.memory_space<hbm>>
    tpu.enqueue_dma source(%arg10 : memref<128x128xf32, #tpu.memory_space<vmem>>) target(%dma_start3A_360 : memref<128x128xf32, #tpu.memory_space<hbm>>) target_semaphore(%arg18 : memref<!tpu.dma_semaphore, #tpu.memory_space<semaphore_mem>>)
    %dma_wait3A_361 = arith.constant 11 : i32
    %dma_wait3A_362 = arith.constant 0 : i32
    %dma_wait3A_363 = tpu.memref_slice %arg7[%dma_wait3A_361, %dma_wait3A_362] : memref<12x128xi32, #tpu.memory_space<vmem>> -> memref<1x128xi32, #tpu.memory_space<vmem>>
    %dma_wait3A_364 = tpu.memref_squeeze %dma_wait3A_363 : memref<1x128xi32, #tpu.memory_space<vmem>> -> memref<128xi32, #tpu.memory_space<vmem>>
    %dma_wait3A_365 = arith.constant 0 : i32
    %dma_wait3A_366 = arith.constant 0 : i32
    %dma_wait3A_367 = tpu.memref_slice %arg2[%dma_wait3A_365, %dma_wait3A_366] : memref<100000x128xf32, #tpu.memory_space<hbm>> -> memref<100000x128xf32, #tpu.memory_space<hbm>>
    tpu.wait_indirect_dma semaphore(%arg15 : memref<!tpu.dma_semaphore, #tpu.memory_space<semaphore_mem>>) src(%dma_wait3A_367 : memref<100000x128xf32, #tpu.memory_space<hbm>>) dst(%arg11 : memref<128x128xf32, #tpu.memory_space<vmem>>)
    %mul3A_368 = arith.constant 512 : i32
    %mul3A_369 = arith.muli %add3A, %mul3A_368 : i32
    %add3A_370 = arith.constant 32768 : i32
    %add3A_371 = arith.addi %add3A_370, %mul3A_369 : i32
    %add3A_372 = arith.constant 384 : i32
    %add3A_373 = arith.addi %add3A_371, %add3A_372 : i32
    %dma_start3A_374 = arith.constant 0 : i32
    %dma_start3A_375 = tpu.memref_slice %arg6[%add3A_373, %dma_start3A_374] : memref<49152x128xf32, #tpu.memory_space<hbm>> -> memref<128x128xf32, #tpu.memory_space<hbm>>
    %dma_start3A_376 = arith.constant 0 : i32
    %dma_start3A_377 = tpu.memref_slice %arg6[%add3A_373, %dma_start3A_376] : memref<49152x128xf32, #tpu.memory_space<hbm>> -> memref<128x128xf32, #tpu.memory_space<hbm>>
    tpu.enqueue_dma source(%arg11 : memref<128x128xf32, #tpu.memory_space<vmem>>) target(%dma_start3A_377 : memref<128x128xf32, #tpu.memory_space<hbm>>) target_semaphore(%arg19 : memref<!tpu.dma_semaphore, #tpu.memory_space<semaphore_mem>>)
    %dma_wait3A_378 = arith.constant 0 : i32
    %dma_wait3A_379 = tpu.memref_slice %arg6[%add3A_322, %dma_wait3A_378] : memref<49152x128xf32, #tpu.memory_space<hbm>> -> memref<128x128xf32, #tpu.memory_space<hbm>>
    %dma_wait3A_380 = arith.constant 0 : i32
    %dma_wait3A_381 = tpu.memref_slice %arg6[%add3A_322, %dma_wait3A_380] : memref<49152x128xf32, #tpu.memory_space<hbm>> -> memref<128x128xf32, #tpu.memory_space<hbm>>
    tpu.wait_dma2 semaphore(%arg16 : memref<!tpu.dma_semaphore, #tpu.memory_space<semaphore_mem>>) src(%arg8 : memref<128x128xf32, #tpu.memory_space<vmem>>) dst(%dma_wait3A_381 : memref<128x128xf32, #tpu.memory_space<hbm>>)
    %dma_wait3A_382 = arith.constant 0 : i32
    %dma_wait3A_383 = tpu.memref_slice %arg6[%add3A_339, %dma_wait3A_382] : memref<49152x128xf32, #tpu.memory_space<hbm>> -> memref<128x128xf32, #tpu.memory_space<hbm>>
    %dma_wait3A_384 = arith.constant 0 : i32
    %dma_wait3A_385 = tpu.memref_slice %arg6[%add3A_339, %dma_wait3A_384] : memref<49152x128xf32, #tpu.memory_space<hbm>> -> memref<128x128xf32, #tpu.memory_space<hbm>>
    tpu.wait_dma2 semaphore(%arg17 : memref<!tpu.dma_semaphore, #tpu.memory_space<semaphore_mem>>) src(%arg9 : memref<128x128xf32, #tpu.memory_space<vmem>>) dst(%dma_wait3A_385 : memref<128x128xf32, #tpu.memory_space<hbm>>)
    %dma_wait3A_386 = arith.constant 0 : i32
    %dma_wait3A_387 = tpu.memref_slice %arg6[%add3A_356, %dma_wait3A_386] : memref<49152x128xf32, #tpu.memory_space<hbm>> -> memref<128x128xf32, #tpu.memory_space<hbm>>
    %dma_wait3A_388 = arith.constant 0 : i32
    %dma_wait3A_389 = tpu.memref_slice %arg6[%add3A_356, %dma_wait3A_388] : memref<49152x128xf32, #tpu.memory_space<hbm>> -> memref<128x128xf32, #tpu.memory_space<hbm>>
    tpu.wait_dma2 semaphore(%arg18 : memref<!tpu.dma_semaphore, #tpu.memory_space<semaphore_mem>>) src(%arg10 : memref<128x128xf32, #tpu.memory_space<vmem>>) dst(%dma_wait3A_389 : memref<128x128xf32, #tpu.memory_space<hbm>>)
    %dma_wait3A_390 = arith.constant 0 : i32
    %dma_wait3A_391 = tpu.memref_slice %arg6[%add3A_373, %dma_wait3A_390] : memref<49152x128xf32, #tpu.memory_space<hbm>> -> memref<128x128xf32, #tpu.memory_space<hbm>>
    %dma_wait3A_392 = arith.constant 0 : i32
    %dma_wait3A_393 = tpu.memref_slice %arg6[%add3A_373, %dma_wait3A_392] : memref<49152x128xf32, #tpu.memory_space<hbm>> -> memref<128x128xf32, #tpu.memory_space<hbm>>
    tpu.wait_dma2 semaphore(%arg19 : memref<!tpu.dma_semaphore, #tpu.memory_space<semaphore_mem>>) src(%arg11 : memref<128x128xf32, #tpu.memory_space<vmem>>) dst(%dma_wait3A_393 : memref<128x128xf32, #tpu.memory_space<hbm>>)
    return
  }
}

module attributes {stable_mosaic.version = 14 : i64} {
  func.func @body(%arg0: i32, %arg1: memref<1x1x2048xf32, #tpu.memory_space<vmem>>, %arg2: memref<2048x128xf32, #tpu.memory_space<vmem>>, %arg3: memref<2048x128xf32, #tpu.memory_space<vmem>>, %arg4: memref<2048x128xf32, #tpu.memory_space<vmem>>, %arg5: memref<1x16xf32, #tpu.memory_space<vmem>>, %arg6: memref<1x16xf32, #tpu.memory_space<vmem>>, %arg7: memref<144x128xf32, #tpu.memory_space<vmem>>, %arg8: memref<1x128xf32, #tpu.memory_space<vmem>>, %arg9: memref<256x128xf32, #tpu.memory_space<vmem>>, %arg10: memref<1x128xf32, #tpu.memory_space<vmem>>, %arg11: memref<128x1xf32, #tpu.memory_space<vmem>>, %arg12: memref<1x1xf32, #tpu.memory_space<vmem>>, %arg13: memref<1x2048xf32, #tpu.memory_space<vmem>>, %arg14: memref<1x2048xf32, #tpu.memory_space<vmem>>, %arg15: memref<128x128xf32, #tpu.memory_space<vmem>>, %arg16: memref<128x128xf32, #tpu.memory_space<vmem>>, %arg17: memref<16x128xf32, #tpu.memory_space<vmem>>, %arg18: memref<1x128xf32, #tpu.memory_space<vmem>>) attributes {dimension_semantics = [#tpu.dimension_semantics<arbitrary>], iteration_bounds = array<i64: 8>, scalar_prefetch = 0 : i64, scratch_operands = 4 : i64, tpu.core_type = #tpu.core_type<tc>, window_params = [{transform_indices = @transform_0, window_bounds = array<i64: 1, 1, 2048>}, {transform_indices = @transform_1, window_bounds = array<i64: 2048, 128>}, {transform_indices = @transform_2, window_bounds = array<i64: 2048, 128>}, {transform_indices = @transform_3, window_bounds = array<i64: 2048, 128>}, {pipeline_mode = #tpu.pipeline_mode<synchronous>, transform_indices = @transform_4, window_bounds = array<i64: 1, 16>}, {pipeline_mode = #tpu.pipeline_mode<synchronous>, transform_indices = @transform_5, window_bounds = array<i64: 1, 16>}, {pipeline_mode = #tpu.pipeline_mode<synchronous>, transform_indices = @transform_6, window_bounds = array<i64: 144, 128>}, {pipeline_mode = #tpu.pipeline_mode<synchronous>, transform_indices = @transform_7, window_bounds = array<i64: 1, 128>}, {pipeline_mode = #tpu.pipeline_mode<synchronous>, transform_indices = @transform_8, window_bounds = array<i64: 256, 128>}, {pipeline_mode = #tpu.pipeline_mode<synchronous>, transform_indices = @transform_9, window_bounds = array<i64: 1, 128>}, {pipeline_mode = #tpu.pipeline_mode<synchronous>, transform_indices = @transform_10, window_bounds = array<i64: 128, 1>}, {pipeline_mode = #tpu.pipeline_mode<synchronous>, transform_indices = @transform_11, window_bounds = array<i64: 1, 1>}, {transform_indices = @transform_12, window_bounds = array<i64: 1, 2048>}, {transform_indices = @transform_13, window_bounds = array<i64: 1, 2048>}]} {
    %eq3A = arith.constant 0 : i32
    %eq3A_0 = arith.cmpi eq, %arg0, %eq3A : i32
    %convert_element_type3A = arith.extui %eq3A_0 : i1 to i32
    %cond3A = arith.constant 0 : i32
    %cond3A_1 = arith.cmpi ne, %convert_element_type3A, %cond3A : i32
    scf.if %cond3A_1 {
      %get3A_85 = arith.constant 0 : index
      %get3A_86 = arith.constant 0 : index
      %get3A_87 = vector.load %arg7[%get3A_85, %get3A_86] : memref<144x128xf32, #tpu.memory_space<vmem>>, vector<128x128xf32>
      %get3A_88 = arith.constant 128 : index
      %get3A_89 = arith.constant 0 : index
      %get3A_90 = vector.load %arg7[%get3A_88, %get3A_89] : memref<144x128xf32, #tpu.memory_space<vmem>>, vector<16x128xf32>
      %get3A_91 = arith.constant 0 : index
      %get3A_92 = arith.constant 0 : index
      %get3A_93 = vector.load %arg9[%get3A_91, %get3A_92] : memref<256x128xf32, #tpu.memory_space<vmem>>, vector<128x128xf32>
      %get3A_94 = arith.constant 128 : index
      %get3A_95 = arith.constant 0 : index
      %get3A_96 = vector.load %arg9[%get3A_94, %get3A_95] : memref<256x128xf32, #tpu.memory_space<vmem>>, vector<128x128xf32>
      %add3A_97 = arith.addf %get3A_93, %get3A_96 : vector<128x128xf32>
      %dot_general3A_98 = arith.constant dense<0.000000e+00> : vector<128x128xf32>
      %dot_general3A_99 = tpu.matmul %get3A_87, %get3A_93, %dot_general3A_98 {dimension_numbers = #tpu.dot_dimension_numbers<[1], [0], [0], [1], [0, 0, 1, 1], [], []>, transpose_lhs_hint = false} : vector<128x128xf32>, vector<128x128xf32>, vector<128x128xf32> -> vector<128x128xf32>
      %swap3A_100 = arith.constant 0 : index
      %swap3A_101 = arith.constant 0 : index
      %swap3A_102 = vector.load %arg15[%swap3A_100, %swap3A_101] : memref<128x128xf32, #tpu.memory_space<vmem>>, vector<128x128xf32>
      tpu.vector_store %arg15[%swap3A_100, %swap3A_101], %dot_general3A_99 {strides = array<i32>} : memref<128x128xf32, #tpu.memory_space<vmem>>, vector<128x128xf32>,
      %dot_general3A_103 = arith.constant dense<0.000000e+00> : vector<128x128xf32>
      %dot_general3A_104 = tpu.matmul %get3A_87, %get3A_96, %dot_general3A_103 {dimension_numbers = #tpu.dot_dimension_numbers<[1], [0], [0], [1], [0, 0, 1, 1], [], []>, transpose_lhs_hint = false} : vector<128x128xf32>, vector<128x128xf32>, vector<128x128xf32> -> vector<128x128xf32>
      %swap3A_105 = arith.constant 0 : index
      %swap3A_106 = arith.constant 0 : index
      %swap3A_107 = vector.load %arg16[%swap3A_105, %swap3A_106] : memref<128x128xf32, #tpu.memory_space<vmem>>, vector<128x128xf32>
      tpu.vector_store %arg16[%swap3A_105, %swap3A_106], %dot_general3A_104 {strides = array<i32>} : memref<128x128xf32, #tpu.memory_space<vmem>>, vector<128x128xf32>,
      %dot_general3A_108 = arith.constant dense<0.000000e+00> : vector<16x128xf32>
      %dot_general3A_109 = tpu.matmul %get3A_90, %add3A_97, %dot_general3A_108 {dimension_numbers = #tpu.dot_dimension_numbers<[1], [0], [0], [1], [0, 0, 1, 1], [], []>, transpose_lhs_hint = false} : vector<16x128xf32>, vector<128x128xf32>, vector<16x128xf32> -> vector<16x128xf32>
      %swap3A_110 = arith.constant 0 : index
      %swap3A_111 = arith.constant 0 : index
      %swap3A_112 = vector.load %arg17[%swap3A_110, %swap3A_111] : memref<16x128xf32, #tpu.memory_space<vmem>>, vector<16x128xf32>
      tpu.vector_store %arg17[%swap3A_110, %swap3A_111], %dot_general3A_109 {strides = array<i32>} : memref<16x128xf32, #tpu.memory_space<vmem>>, vector<16x128xf32>,
      %get3A_113 = arith.constant 0 : index
      %get3A_114 = arith.constant 0 : index
      %get3A_115 = vector.load %arg8[%get3A_113, %get3A_114] : memref<1x128xf32, #tpu.memory_space<vmem>>, vector<1x128xf32>
      %dot_general3A_116 = arith.constant dense<0.000000e+00> : vector<1x128xf32>
      %dot_general3A_117 = tpu.matmul %get3A_115, %add3A_97, %dot_general3A_116 {dimension_numbers = #tpu.dot_dimension_numbers<[1], [0], [0], [1], [0, 0, 1, 1], [], []>, transpose_lhs_hint = false} : vector<1x128xf32>, vector<128x128xf32>, vector<1x128xf32> -> vector<1x128xf32>
      %get3A_118 = arith.constant 0 : index
      %get3A_119 = arith.constant 0 : index
      %get3A_120 = vector.load %arg10[%get3A_118, %get3A_119] : memref<1x128xf32, #tpu.memory_space<vmem>>, vector<1x128xf32>
      %add3A_121 = arith.addf %dot_general3A_117, %get3A_120 : vector<1x128xf32>
      %swap3A_122 = arith.constant 0 : index
      %swap3A_123 = arith.constant 0 : index
      %swap3A_124 = vector.load %arg18[%swap3A_122, %swap3A_123] : memref<1x128xf32, #tpu.memory_space<vmem>>, vector<1x128xf32>
      tpu.vector_store %arg18[%swap3A_122, %swap3A_123], %add3A_121 {strides = array<i32>} : memref<1x128xf32, #tpu.memory_space<vmem>>, vector<1x128xf32>,
    } else {
    }
    %get3A = arith.constant 0 : index
    %get3A_2 = arith.constant 0 : index
    %get3A_3 = arith.constant 0 : index
    %get3A_4 = vector.load %arg1[%get3A, %get3A_2, %get3A_3] : memref<1x1x2048xf32, #tpu.memory_space<vmem>>, vector<1x1x2048xf32>
    %get3A_5 = vector.shape_cast %get3A_4 : vector<1x1x2048xf32> to vector<2048xf32>
    %get3A_6 = arith.constant 0 : index
    %get3A_7 = arith.constant 0 : index
    %get3A_8 = vector.load %arg5[%get3A_6, %get3A_7] : memref<1x16xf32, #tpu.memory_space<vmem>>, vector<1x16xf32>
    %get3A_9 = vector.shape_cast %get3A_8 : vector<1x16xf32> to vector<16xf32>
    %broadcast_in_dim3A = vector.shape_cast %get3A_9 : vector<16xf32> to vector<16x1xf32>
    %broadcast_in_dim3A_10 = vector.shape_cast %get3A_5 : vector<2048xf32> to vector<1x2048xf32>
    %mul3A = vector.broadcast %broadcast_in_dim3A : vector<16x1xf32> to vector<16x2048xf32>
    %mul3A_11 = vector.broadcast %broadcast_in_dim3A_10 : vector<1x2048xf32> to vector<16x2048xf32>
    %mul3A_12 = arith.mulf %mul3A, %mul3A_11 : vector<16x2048xf32>
    %get3A_13 = arith.constant 0 : index
    %get3A_14 = arith.constant 0 : index
    %get3A_15 = vector.load %arg6[%get3A_13, %get3A_14] : memref<1x16xf32, #tpu.memory_space<vmem>>, vector<1x16xf32>
    %get3A_16 = vector.shape_cast %get3A_15 : vector<1x16xf32> to vector<16xf32>
    %broadcast_in_dim3A_17 = vector.shape_cast %get3A_16 : vector<16xf32> to vector<16x1xf32>
    %add3A = vector.broadcast %broadcast_in_dim3A_17 : vector<16x1xf32> to vector<16x2048xf32>
    %add3A_18 = arith.addf %mul3A_12, %add3A : vector<16x2048xf32>
    %cos3A = math.cos %add3A_18 : vector<16x2048xf32>
    %get3A_19 = arith.constant 0 : index
    %get3A_20 = arith.constant 0 : index
    %get3A_21 = vector.load %arg17[%get3A_19, %get3A_20] : memref<16x128xf32, #tpu.memory_space<vmem>>, vector<16x128xf32>
    %dot_general3A = arith.constant dense<0.000000e+00> : vector<2048x128xf32>
    %dot_general3A_22 = tpu.matmul %cos3A, %get3A_21, %dot_general3A {dimension_numbers = #tpu.dot_dimension_numbers<[0], [0], [1], [1], [0, 1, 1, 1], [], []>, transpose_lhs_hint = false} : vector<16x2048xf32>, vector<16x128xf32>, vector<2048x128xf32> -> vector<2048x128xf32>
    %get3A_23 = arith.constant 0 : index
    %get3A_24 = arith.constant 0 : index
    %get3A_25 = vector.load %arg18[%get3A_23, %get3A_24] : memref<1x128xf32, #tpu.memory_space<vmem>>, vector<1x128xf32>
    %add3A_26 = vector.broadcast %get3A_25 : vector<1x128xf32> to vector<2048x128xf32>
    %add3A_27 = arith.addf %dot_general3A_22, %add3A_26 : vector<2048x128xf32>
    %get3A_28 = arith.constant 0 : index
    %get3A_29 = arith.constant 0 : index
    %get3A_30 = vector.load %arg2[%get3A_28, %get3A_29] : memref<2048x128xf32, #tpu.memory_space<vmem>>, vector<2048x128xf32>
    %get3A_31 = arith.constant 0 : index
    %get3A_32 = arith.constant 0 : index
    %get3A_33 = vector.load %arg15[%get3A_31, %get3A_32] : memref<128x128xf32, #tpu.memory_space<vmem>>, vector<128x128xf32>
    %dot_general3A_34 = arith.constant dense<0.000000e+00> : vector<2048x128xf32>
    %dot_general3A_35 = tpu.matmul %get3A_30, %get3A_33, %dot_general3A_34 {dimension_numbers = #tpu.dot_dimension_numbers<[1], [0], [0], [1], [0, 0, 1, 1], [], []>, transpose_lhs_hint = false} : vector<2048x128xf32>, vector<128x128xf32>, vector<2048x128xf32> -> vector<2048x128xf32>
    %add3A_36 = arith.addf %dot_general3A_35, %add3A_27 : vector<2048x128xf32>
    %get3A_37 = arith.constant 0 : index
    %get3A_38 = arith.constant 0 : index
    %get3A_39 = vector.load %arg3[%get3A_37, %get3A_38] : memref<2048x128xf32, #tpu.memory_space<vmem>>, vector<2048x128xf32>
    %get3A_40 = arith.constant 0 : index
    %get3A_41 = arith.constant 0 : index
    %get3A_42 = vector.load %arg16[%get3A_40, %get3A_41] : memref<128x128xf32, #tpu.memory_space<vmem>>, vector<128x128xf32>
    %dot_general3A_43 = arith.constant dense<0.000000e+00> : vector<2048x128xf32>
    %dot_general3A_44 = tpu.matmul %get3A_39, %get3A_42, %dot_general3A_43 {dimension_numbers = #tpu.dot_dimension_numbers<[1], [0], [0], [1], [0, 0, 1, 1], [], []>, transpose_lhs_hint = false} : vector<2048x128xf32>, vector<128x128xf32>, vector<2048x128xf32> -> vector<2048x128xf32>
    %add3A_45 = arith.addf %add3A_36, %dot_general3A_44 : vector<2048x128xf32>
    %max3A = arith.constant 0.000000e+00 : f32
    %max3A_46 = vector.broadcast %max3A : f32 to vector<2048x128xf32>
    %max3A_47 = arith.maximumf %add3A_45, %max3A_46 : vector<2048x128xf32>
    %get3A_48 = arith.constant 0 : index
    %get3A_49 = arith.constant 0 : index
    %get3A_50 = vector.load %arg4[%get3A_48, %get3A_49] : memref<2048x128xf32, #tpu.memory_space<vmem>>, vector<2048x128xf32>
    %get3A_51 = arith.constant 0 : index
    %get3A_52 = arith.constant 0 : index
    %get3A_53 = vector.load %arg16[%get3A_51, %get3A_52] : memref<128x128xf32, #tpu.memory_space<vmem>>, vector<128x128xf32>
    %dot_general3A_54 = arith.constant dense<0.000000e+00> : vector<2048x128xf32>
    %dot_general3A_55 = tpu.matmul %get3A_50, %get3A_53, %dot_general3A_54 {dimension_numbers = #tpu.dot_dimension_numbers<[1], [0], [0], [1], [0, 0, 1, 1], [], []>, transpose_lhs_hint = false} : vector<2048x128xf32>, vector<128x128xf32>, vector<2048x128xf32> -> vector<2048x128xf32>
    %add3A_56 = arith.addf %add3A_36, %dot_general3A_55 : vector<2048x128xf32>
    %max3A_57 = arith.constant 0.000000e+00 : f32
    %max3A_58 = vector.broadcast %max3A_57 : f32 to vector<2048x128xf32>
    %max3A_59 = arith.maximumf %add3A_56, %max3A_58 : vector<2048x128xf32>
    %get3A_60 = arith.constant 0 : index
    %get3A_61 = arith.constant 0 : index
    %get3A_62 = vector.load %arg11[%get3A_60, %get3A_61] : memref<128x1xf32, #tpu.memory_space<vmem>>, vector<128x1xf32>
    %dot_general3A_63 = arith.constant dense<0.000000e+00> : vector<1x2048xf32>
    %dot_general3A_64 = tpu.matmul %get3A_62, %max3A_47, %dot_general3A_63 {dimension_numbers = #tpu.dot_dimension_numbers<[0], [1], [1], [0], [0, 1, 1, 0], [], []>, transpose_lhs_hint = false} : vector<128x1xf32>, vector<2048x128xf32>, vector<1x2048xf32> -> vector<1x2048xf32>
    %get3A_65 = arith.constant 0 : index
    %get3A_66 = arith.constant 0 : index
    %get3A_67 = vector.load %arg12[%get3A_65, %get3A_66] : memref<1x1xf32, #tpu.memory_space<vmem>>, vector<1x1xf32>
    %add3A_68 = vector.broadcast %get3A_67 : vector<1x1xf32> to vector<1x2048xf32>
    %add3A_69 = arith.addf %dot_general3A_64, %add3A_68 : vector<1x2048xf32>
    %swap3A = arith.constant 0 : index
    %swap3A_70 = arith.constant 0 : index
    %swap3A_71 = vector.load %arg13[%swap3A, %swap3A_70] : memref<1x2048xf32, #tpu.memory_space<vmem>>, vector<1x2048xf32>
    tpu.vector_store %arg13[%swap3A, %swap3A_70], %add3A_69 {strides = array<i32>} : memref<1x2048xf32, #tpu.memory_space<vmem>>, vector<1x2048xf32>,
    %get3A_72 = arith.constant 0 : index
    %get3A_73 = arith.constant 0 : index
    %get3A_74 = vector.load %arg11[%get3A_72, %get3A_73] : memref<128x1xf32, #tpu.memory_space<vmem>>, vector<128x1xf32>
    %dot_general3A_75 = arith.constant dense<0.000000e+00> : vector<1x2048xf32>
    %dot_general3A_76 = tpu.matmul %get3A_74, %max3A_59, %dot_general3A_75 {dimension_numbers = #tpu.dot_dimension_numbers<[0], [1], [1], [0], [0, 1, 1, 0], [], []>, transpose_lhs_hint = false} : vector<128x1xf32>, vector<2048x128xf32>, vector<1x2048xf32> -> vector<1x2048xf32>
    %get3A_77 = arith.constant 0 : index
    %get3A_78 = arith.constant 0 : index
    %get3A_79 = vector.load %arg12[%get3A_77, %get3A_78] : memref<1x1xf32, #tpu.memory_space<vmem>>, vector<1x1xf32>
    %add3A_80 = vector.broadcast %get3A_79 : vector<1x1xf32> to vector<1x2048xf32>
    %add3A_81 = arith.addf %dot_general3A_76, %add3A_80 : vector<1x2048xf32>
    %swap3A_82 = arith.constant 0 : index
    %swap3A_83 = arith.constant 0 : index
    %swap3A_84 = vector.load %arg14[%swap3A_82, %swap3A_83] : memref<1x2048xf32, #tpu.memory_space<vmem>>, vector<1x2048xf32>
    tpu.vector_store %arg14[%swap3A_82, %swap3A_83], %add3A_81 {strides = array<i32>} : memref<1x2048xf32, #tpu.memory_space<vmem>>, vector<1x2048xf32>,
    return
  }
  func.func @transform_0(%arg0: i32) -> (i32, i32, i32) {
    %c0_i32 = arith.constant 0 : i32
    %c0_i32_0 = arith.constant 0 : i32
    %c0_i32_1 = arith.constant 0 : i32
    return %arg0, %c0_i32, %c0_i32_0 : i32, i32, i32
  }
  func.func @transform_1(%arg0: i32) -> (i32, i32) {
    %c0_i32 = arith.constant 0 : i32
    %c0_i32_0 = arith.constant 0 : i32
    return %arg0, %c0_i32 : i32, i32
  }
  func.func @transform_2(%arg0: i32) -> (i32, i32) {
    %add3A = arith.constant 8 : i32
    %add3A_0 = arith.addi %arg0, %add3A : i32
    %c0_i32 = arith.constant 0 : i32
    %c0_i32_1 = arith.constant 0 : i32
    return %add3A_0, %c0_i32 : i32, i32
  }
  func.func @transform_3(%arg0: i32) -> (i32, i32) {
    %add3A = arith.constant 16 : i32
    %add3A_0 = arith.addi %arg0, %add3A : i32
    %c0_i32 = arith.constant 0 : i32
    %c0_i32_1 = arith.constant 0 : i32
    return %add3A_0, %c0_i32 : i32, i32
  }
  func.func @transform_4(%arg0: i32) -> (i32, i32) {
    %c0_i32 = arith.constant 0 : i32
    %c0_i32_0 = arith.constant 0 : i32
    %c0_i32_1 = arith.constant 0 : i32
    return %c0_i32, %c0_i32_0 : i32, i32
  }
  func.func @transform_5(%arg0: i32) -> (i32, i32) {
    %c0_i32 = arith.constant 0 : i32
    %c0_i32_0 = arith.constant 0 : i32
    %c0_i32_1 = arith.constant 0 : i32
    return %c0_i32, %c0_i32_0 : i32, i32
  }
  func.func @transform_6(%arg0: i32) -> (i32, i32) {
    %c0_i32 = arith.constant 0 : i32
    %c0_i32_0 = arith.constant 0 : i32
    %c0_i32_1 = arith.constant 0 : i32
    return %c0_i32, %c0_i32_0 : i32, i32
  }
  func.func @transform_7(%arg0: i32) -> (i32, i32) {
    %c0_i32 = arith.constant 0 : i32
    %c0_i32_0 = arith.constant 0 : i32
    %c0_i32_1 = arith.constant 0 : i32
    return %c0_i32, %c0_i32_0 : i32, i32
  }
  func.func @transform_8(%arg0: i32) -> (i32, i32) {
    %c0_i32 = arith.constant 0 : i32
    %c0_i32_0 = arith.constant 0 : i32
    %c0_i32_1 = arith.constant 0 : i32
    return %c0_i32, %c0_i32_0 : i32, i32
  }
  func.func @transform_9(%arg0: i32) -> (i32, i32) {
    %c0_i32 = arith.constant 0 : i32
    %c0_i32_0 = arith.constant 0 : i32
    %c0_i32_1 = arith.constant 0 : i32
    return %c0_i32, %c0_i32_0 : i32, i32
  }
  func.func @transform_10(%arg0: i32) -> (i32, i32) {
    %c0_i32 = arith.constant 0 : i32
    %c0_i32_0 = arith.constant 0 : i32
    %c0_i32_1 = arith.constant 0 : i32
    return %c0_i32, %c0_i32_0 : i32, i32
  }
  func.func @transform_11(%arg0: i32) -> (i32, i32) {
    %c0_i32 = arith.constant 0 : i32
    %c0_i32_0 = arith.constant 0 : i32
    %c0_i32_1 = arith.constant 0 : i32
    return %c0_i32, %c0_i32_0 : i32, i32
  }
  func.func @transform_12(%arg0: i32) -> (i32, i32) {
    %c0_i32 = arith.constant 0 : i32
    %c0_i32_0 = arith.constant 0 : i32
    return %c0_i32, %arg0 : i32, i32
  }
  func.func @transform_13(%arg0: i32) -> (i32, i32) {
    %c0_i32 = arith.constant 0 : i32
    %c0_i32_0 = arith.constant 0 : i32
    return %c0_i32, %arg0 : i32, i32
  }
}

</mosaic_0001>

<sc_bundles>
// kernel: kernel.4.cloned.1.call-start
scs
__scs_entry_jumppad:
0x0: {  	(pc) =	sbr.rel $0x88, $3  }
0x1: {  	(tag) =	ssettag $0x0;
	lr =	simm.s32 $0x1  }
0x2: {  	[smem:$0x3F94] =	sst lr;
	_ =	strace $0xD0000000  }
0x3: {  	_ = 	snop  }
0x4: {  	_ = 	snop  }
0x5: {  	_ = 	snop  }
0x6: {  	_ = 	snop  }
0x7: {  	_ = 	snop  }
__scs_overlays_trampoline_lowered:
0x8: {  	[smem:$0x3FA3] =	sst s0  }
0x9: {  	[smem:$0x3FA4] =	sst s1  }
0xa: {  	[smem:$0x3FA5] =	sst s2  }
0xb: {  	[smem:$0x3FA6] =	sst s3  }
0xc: {  	[smem:$0x3FA7] =	sst s4  }
0xd: {  	[smem:$0x3FA8] =	sst s5  }
0xe: {  	[smem:$0x3FA9] =	sst s6  }
0xf: {  	[smem:$0x3FAA] =	sst s7  }
0x10: {  	[smem:$0x3FAB] =	sst s8  }
0x11: {  	[smem:$0x3FAC] =	sst s9;
	s0 =	simm.s32 @!p0 $0x0  }
0x12: {  	s1 =	sld [smem:$0x3F92];
	s0 =	simm.s32 @p0 $0x1  }
0x13: {  	[smem:$0x3FAD] =	sst s0;
	s0 =	simm.s32 @!p1 $0x0  }
0x14: {  	s2 =	sld [smem:$0x3F91];
	s0 =	simm.s32 @p1 $0x1  }
0x15: {  	[smem:$0x3FAE] =	sst s0;
	s0 =	simm.s32 @!p2 $0x0  }
0x16: {  	s3 =	sld [smem:$0x3FDB];
	s0 =	simm.s32 @p2 $0x1  }
0x17: {  	s4 =	simm.s32 $0x1BF5;
	[smem:$0x3FB0] =	sst s0  }
0x18: {  	s0 =	sld [smem:$0x3F93];
	_ =	swait.ge [sflag:s4], $0x0  }
0x19: {  	s7 =	sld [smem:$0x3F94]  }
0x1a: {  	s8 =	sadd.s32 $0xFFFFE003, lr  }
0x1b: {  	s9 =	sadd.s32 $0xFFFFFEF7, lr;
	s5 =	simm.s32 $0xFFFFFFFF;
	p2 =	slt.u32 s8, $0xFFFFF086  }
0x1c: {  	p1 =	slt.u32 s9, $0xF7A;
	s5 =	simm.s32 @!p2 $0x0  }
0x1d: {  	s5 =	simm.s32 @p1 $0x1;
	p0 =	seq.s32 s7, s2  }
0x1e: {  	s7 =	smul.u32 @!p0 $0xF7A, s2;
	p2 =	seq.s32 @!p0 s5, $0x0  }
0x1f: {  	s9 =	smul.u32 $0xF7A, s1;
	s8 =	simm.s32 @!p0 $0x1BF5;
	p2 =	por !p2, p0  }
0x20: {  	[sflag:s8] =	ssyncset.s32 @!p0 $0xFFFFF086;
	s6 =	sadd.s32 @!p0 s3, s7;
	s7 =	simm.s32 @!p0 $0x108  }
0x21: {  	s3 =	sadd.s32 s3, s9;
	s6 =	sadd.s32 @!p0 $0x88, s6;
	s7 =	simm.s32 @p2 $0x1082  }
0x22: {  	[simem:s7], [sflag:s8] =	dma.local @!p0 [hbm:s6], $0xF7A  }
0x23: {  	s9 =	sor.u32 $0xD0000000, s2;
	s6 =	simm.s32 $0x108;
	_ =	swait.ge @!p0 [sflag:s8], $0x0  }
0x24: {  	s3 =	sadd.s32 $0x88, s3;
	s6 =	simm.s32 @!p1 $0x1082;
	[sflag:s4] =	ssyncset.s32 $0xFFFFF086  }
0x25: {  	[simem:s6], [sflag:s4] =	dma.local [hbm:s3], $0xF7A  }
0x26: {  	[smem:$0x3F94] =	sst s1;
	(tag) =	ssettag s2;
	_ =	strace s9  }
0x27: {  	s1 =	sld [smem:$0x3FA4]  }
0x28: {  	s2 =	sld [smem:$0x3FA5]  }
0x29: {  	s4 =	sld [smem:$0x3FA7]  }
0x2a: {  	p0 =	seq.s32 s5, $0x0;
	s5 =	sld [smem:$0x3FA8]  }
0x2b: {  	s6 =	sld [smem:$0x3FA9]  }
0x2c: {  	s7 =	sld [smem:$0x3FAA]  }
0x2d: {  	s3 =	simm.s32 $0x108;
	s8 =	sld [smem:$0x3FAB]  }
0x2e: {  	s3 =	simm.s32 @!p0 $0x1082;
	s9 =	sld [smem:$0x3FAC]  }
0x2f: {  	lr =	sadd.s32 s0, s3;
	s0 =	sld [smem:$0x3FA3]  }
0x30: {  	s3 =	sld [smem:$0x3FA6]  }
0x31: {  	[smem:$0x3FAF] =	sst s10  }
0x32: {  	s10 =	sld [smem:$0x3FAD];
	_ =	sdelay $0x3  }
0x33: {  	p0 =	seq.s32 s10, $0x1;
	s10 =	sld [smem:$0x3FAF];
	_ =	sdelay $0x3  }
0x34: {  	[smem:$0x3FAF] =	sst s10  }
0x35: {  	s10 =	sld [smem:$0x3FAE];
	_ =	sdelay $0x3  }
0x36: {  	p1 =	seq.s32 s10, $0x1;
	s10 =	sld [smem:$0x3FAF];
	_ =	sdelay $0x3  }
0x37: {  	[smem:$0x3FAF] =	sst s10  }
0x38: {  	s10 =	sld [smem:$0x3FB0]  }
0x39: {  	_ = 	snop;
	(pc) =	sbr.ind lr, $3  }
0x3a: {  	_ = 	snop  }
0x3b: {  	_ = 	snop  }
0x3c: {  	p2 =	seq.s32 s10, $0x1;
	s10 =	sld [smem:$0x3FAF]  }
0x3d: {  	_ =	shalt  }
0x3e: {  	_ =	shalt  }
0x3f: {  	_ =	shalt  }
0x40: {  	_ =	shalt  }
0x41: {  	_ =	shalt  }
0x42: {  	_ =	shalt  }
0x43: {  	_ =	shalt  }
0x44: {  	_ =	shalt  }
0x45: {  	_ =	shalt  }
0x46: {  	_ =	shalt  }
0x47: {  	_ =	shalt  }
0x48: {  	_ =	shalt  }
0x49: {  	_ =	shalt  }
0x4a: {  	_ =	shalt  }
0x4b: {  	_ =	shalt  }
0x4c: {  	_ =	shalt  }
0x4d: {  	_ =	shalt  }
0x4e: {  	_ =	shalt  }
0x4f: {  	_ =	shalt  }
0x50: {  	_ =	shalt  }
0x51: {  	_ =	shalt  }
0x52: {  	_ =	shalt  }
0x53: {  	_ =	shalt  }
0x54: {  	_ =	shalt  }
0x55: {  	_ =	shalt  }
0x56: {  	_ =	shalt  }
0x57: {  	_ =	shalt  }
0x58: {  	_ =	shalt  }
0x59: {  	_ =	shalt  }
0x5a: {  	_ =	shalt  }
0x5b: {  	_ =	shalt  }
0x5c: {  	_ =	shalt  }
0x5d: {  	_ =	shalt  }
0x5e: {  	_ =	shalt  }
0x5f: {  	_ =	shalt  }
0x60: {  	_ =	shalt  }
0x61: {  	_ =	shalt  }
0x62: {  	_ =	shalt  }
0x63: {  	_ =	shalt  }
0x64: {  	_ =	shalt  }
0x65: {  	_ =	shalt  }
0x66: {  	_ =	shalt  }
0x67: {  	_ =	shalt  }
0x68: {  	_ =	shalt  }
0x69: {  	_ =	shalt  }
0x6a: {  	_ =	shalt  }
0x6b: {  	_ =	shalt  }
0x6c: {  	_ =	shalt  }
0x6d: {  	_ =	shalt  }
0x6e: {  	_ =	shalt  }
0x6f: {  	_ =	shalt  }
0x70: {  	_ =	shalt  }
0x71: {  	_ =	shalt  }
0x72: {  	_ =	shalt  }
0x73: {  	_ =	shalt  }
0x74: {  	_ =	shalt  }
0x75: {  	_ =	shalt  }
0x76: {  	_ =	shalt  }
0x77: {  	_ =	shalt  }
0x78: {  	_ =	shalt  }
0x79: {  	_ =	shalt  }
0x7a: {  	_ =	shalt  }
0x7b: {  	_ =	shalt  }
0x7c: {  	_ =	shalt  }
0x7d: {  	_ =	shalt  }
0x7e: {  	_ =	shalt  }
0x7f: {  	_ =	shalt  }
0x80: {  	_ =	shalt  }
0x81: {  	_ =	shalt  }
0x82: {  	_ =	shalt  }
0x83: {  	_ =	shalt  }
0x84: {  	_ =	shalt  }
0x85: {  	_ =	shalt  }
0x86: {  	_ =	shalt  }
0x87: {  	_ =	shalt  }
.Lfunc_end0:
.L_simem_size_0:
called_computation_lowered:
.L_overlay_start_0:
0x88: {  	s2 =	sld [smem:$0x3FD9]  }
0x89: {  	s3 =	sld [smem:$0x3FFE];
	_ =	sdelay $0x1  }
0x8a: {  	s1 =	srdreg.scid  }
0x8b: {  	s0 =	sand.u32 $0x1, s1  }
0x8c: {  	s17 =	sshll.u32 s0, $0xA;
	s2 =	sadd.s32 s3, s2  }
0x8d: {  	s2 =	sadd.s32 s2, s17  }
0x8e: {  	[smem:$0x3FBB] =	sst s2  }
0x8f: {  	_ = 	snop  }
0x90: {  	s2 =	sld [smem:$0x3FC9]  }
0x91: {  	s18 =	sld [smem:$0x3FC8]  }
0x92: {  	s4 =	sld [smem:$0x3FC7]  }
0x93: {  	s5 =	sld [smem:$0x3FC5];
	(tm) =	ssettm $0x1  }
0x94: {  	s6 =	sld [smem:$0x3FFB];
	_ =	sdelay $0x3  }
0x95: {  	_ =	strace s6  }
0x96: {  	s6 =	sld [smem:$0x3FFC];
	_ =	sdelay $0x3  }
0x97: {  	_ =	strace s6  }
0x98: {  	s6 =	sld [smem:$0x3FFD];
	_ =	sdelay $0x3  }
0x99: {  	_ =	strace s6  }
0x9a: {  	_ =	strace $0x8FFFFFFF  }
0x9b: {  	s19 =	sld [smem:$0x3FDB];
	_ =	sdelay $0x1  }
0x9c: {  	s7 =	simm.s32 $_scs_section_size  }
0x9d: {  	s8 =	simm.s32 $_size__tile_overlayer_lowered;
	s9 =	simm.s32 $_tile_overlayer_lowered  }
0x9e: {  	s22 =	simm.s32 $0x1BFF;
	s21 =	sshll.u32 s9, $0x1;
	s6 =	sadd.s32 s7, s19  }
0x9f: {  	s10 =	simm.s32 $0x0;
	s20 =	sshll.u32 s8, $0x1;
	s8 =	sadd.s32 s21, s6  }
0xa0: {  	[timem:s10], [sflag:s22] =	dma.local [hbm:s8], s20  }
0xa1: {  	_ =	swait.ge [sflag:s22], s20  }
0xa2: {  	s7 =	ssub.s32 $0x0, s20;
	[sflag:s22] =	ssyncset.done $0x0  }
0xa3: {  	[sflag:s22] =	ssyncadd.s32 s7;
	_ =	sdelay $0x1  }
0xa4: {  	s23 =	simm.s32 $0x1B8B  }
0xa5: {  	_ =	swait.ge [sflag:s23], $0x1  }
0xa6: {  	[sflag:s23] =	ssyncset.done $0x0  }
0xa7: {  	s25 =	simm.s32 $0x1B8E;
	s24 =	sld [smem:$0x3FFE];
	[sflag:s23] =	ssyncadd.s32 $0xFFFFFFFF  }
0xa8: {  	s26 =	simm.s32 $execute0_lowered;
	[smem:$0x3FD2] =	sst s25  }
0xa9: {  	s8 =	sshll.u32 s26, $0x1;
	_ =	strace $0x80000046;
	[dreg:$0x1] =	wrdreg $0xFFFFFFFF  }
0xaa: {  	s28 =	simm.s32 $_size_execute0_lowered;
	s6 =	sadd.s32 s6, s8;
	[dreg:$0x0] =	wrdreg $0x0  }
0xab: {  	s8 =	sshll.u32 s28, $0x1;
	[dreg:$0x2] =	wrdreg s6  }
0xac: {  	[dreg:$0x3] =	wrdreg s8  }
0xad: {  	[dreg:$0x4] =	wrdreg $0xC0  }
0xae: {  	_ =	task [dreg:s10], $0x5FFFF  }
0xaf: {  	[dreg:$0x1] =	wrdreg $0xFFFFFFFF  }
0xb0: {  	[dreg:$0x0] =	wrdreg $0x60  }
0xb1: {  	[dreg:$0x2] =	wrdreg s5  }
0xb2: {  	[dreg:$0x3] =	wrdreg s2  }
0xb3: {  	[dreg:$0x4] =	wrdreg s18  }
0xb4: {  	[dreg:$0x5] =	wrdreg s4  }
0xb5: {  	[dreg:$0x6] =	wrdreg s24  }
0xb6: {  	[dreg:$0x7] =	wrdreg $0x9  }
0xb7: {  	_ =	task.clear_ibuf [dreg:s10], $0x8FFFF;
	_ =	strace $0x90000046  }
0xb8: {  	s29 =	simm.s32 $0x9;
	_ =	strace $0x80000048  }
0xb9: {  	_ =	swait.ge [sflag:s29], $0x1  }
0xba: {  	[sflag:s29] =	ssyncadd.s32 $0xFFFFFFFF  }
0xbb: {  	_ =	strace $0x90000048  }
0xbc: {  	_ =	sfence  }
0xbd: {  	s30 =	sld [smem:$0x0];
	_ =	sdelay $0x2  }
0xbe: {  	s31 =	sshll.u32 s1, $0xD;
	s1 =	sshrl.u32 s1, $0x2  }
0xbf: {  	s3 =	sand.u32 $0x4000, s31;
	s1 =	sadd.s32 s1, s30  }
0xc0: {  	s0 =	sor.u32 s3, s0;
	s1 =	sshll.u32 s1, $0x11  }
0xc1: {  	s0 =	sor.u32 s1, s0  }
0xc2: {  	s0 =	sadd.s32 $0x8F2B, s0  }
0xc3: {  	[sflag:s0] =	ssyncadd.remote.s32 $0x1  }
0xc4: {  	_ =	sfence.sel $0xFFFF  }
0xc5: {  	[dreg:$0x0] =	wrdreg $0xFFFFFFFF;
	(pc) =	sbr.abs _section_cstart, $3  }
0xc6: {  	[dreg:$0x1] =	wrdreg $0xFFFFFFFF  }
0xc7: {  	_ =	task.clear_ibuf [dreg:s10], $0x2FFFF;
	_ =	strace $0x9FFFFFFF  }
0xc8: {  	(tm) =	ssettm $0x7FFFFFFF  }
0xc9: {  	_ =	shalt  }
tec
execute0_lowered:
.L_overlay_start_1:
0x0: {  	(tag) =	ssettag $0x1  }
0x1: {  	s3 =	rddreg [dreg:$0x0]  }
0x2: {  	s0 =	rddreg [dreg:$0x1]  }
0x3: {  	s1 =	rddreg [dreg:$0x2]  }
0x4: {  	s2 =	srdreg.scid;
	s4 =	rddreg [dreg:$0x3]  }
0x5: {  	s7 =	stileid.u32;
	s6 =	rddreg [dreg:$0x4];
	s31 =	simm.s32 $0x9  }
0x6: {  	s29 =	simm.s32 $0x100;
	s30 =	simm.s32 $0x180;
	s5 =	sand.u32 $0x1, s2  }
0x7: {  	s7 =	sshll.u32 s7, $0xA;
	s2 =	simm.s32 $0x0;
	s8 =	sshll.u32 s5, $0x9  }
0x8: {  	s28 =	simm.s32 $0x200;
	[smem:$0x7FF] =	sst s2;
	s7 =	sor.u32 s8, s7  }
0x9: {  	_ =	strace $0x80000047;
	s8 =	sshrl.u32 s7, $0x3;
	s10 =	sor.u32 $0x80, s7  }
0xa: {  	s11 =	sor.u32 $0x100, s7;
	s14 =	sor.u32 $0x180, s7;
	s9 =	sadd.s32 s0, s8  }
0xb: {  	s25 =	sshrl.u32 s10, $0x3;
	s19 =	sadd.s32 s4, s8;
	[dreg:$0x6] =	wrdreg s9  }
0xc: {  	s13 =	sshrl.u32 s11, $0x3;
	s12 =	sadd.s32 s0, s25;
	[dreg:$0xe] =	wrdreg s19  }
0xd: {  	s15 =	sshrl.u32 s14, $0x3;
	s26 =	sadd.s32 s0, s13;
	[dreg:$0x7] =	wrdreg s12  }
0xe: {  	p0 =	por $0x0, $0x0;
	s0 =	sadd.s32 s0, s15;
	[dreg:$0x8] =	wrdreg s26  }
0xf: {  	s23 =	sadd.s32 $0x1600, s6;
	s16 =	sadd.s32 s1, s25;
	[dreg:$0x9] =	wrdreg s0  }
0x10: {  	s6 =	simm.s32 $0x5;
	s17 =	sadd.s32 s1, s13;
	[dreg:$0xb] =	wrdreg s16  }
0x11: {  	s18 =	sadd.s32 s1, s15;
	s20 =	sadd.s32 s4, s25;
	[dreg:$0xc] =	wrdreg s17  }
0x12: {  	s21 =	sadd.s32 s4, s13;
	s22 =	sadd.s32 s4, s15;
	[dreg:$0xd] =	wrdreg s18  }
0x13: {  	s25 =	sshll.u32 s10, $0x4;
	s9 =	sshll.u32 s14, $0x4;
	[dreg:$0xf] =	wrdreg s20  }
0x14: {  	s15 =	ssub.s32 $0x2, s5;
	s12 =	sadd.s32 s1, s8;
	[dreg:$0x10] =	wrdreg s21  }
0x15: {  	[dreg:$0x11] =	wrdreg s22;
	s26 =	sshll.u32 s7, $0x4;
	s0 =	sadd.s32 s23, s25  }
0x16: {  	s7 =	sshll.u32 s11, $0x4;
	s10 =	sadd.s32 s23, s9;
	s17 =	sshrl.u32 s15, $0x1  }
0x17: {  	s25 =	simm.s32 $0x300;
	s22 =	simm.s32 $0x400;
	s21 =	simm.s32 $0x480  }
0x18: {  	s20 =	simm.s32 $0x500;
	s9 =	simm.s32 $0x7;
	[dreg:$0xa] =	wrdreg s12  }
0x19: {  	[dreg:$0x12] =	wrdreg s0;
	s8 =	sadd.s32 s23, s7;
	s24 =	sadd.s32 s23, s26  }
0x1a: {  	[dreg:$0x14] =	wrdreg s10;
	s1 =	ssub.s32 s15, s17;
	s26 =	simm.s32 $0x280  }
0x1b: {  	s23 =	simm.s32 $0x380;
	s17 =	simm.s32 $0x580;
	s10 =	simm.s32 $0x6  }
0x1c: {  	s15 =	simm.s32 $0x4;
	s7 =	simm.s32 $0x8;
	s0 =	rddreg [dreg:$0x6]  }
0x1d: {  	[dreg:$0x13] =	wrdreg s8;
	s11 =	sadd.s32 $0x40000, s24;
	s12 =	sadd.s32 $0x40800, s24  }
0x1e: {  	s13 =	sadd.s32 $0x41000, s24;
	s14 =	sadd.s32 $0x41800, s24;
	[dreg:$0x15] =	wrdreg s11  }
0x1f: {  	s16 =	sadd.s32 $0x80000, s24;
	s19 =	smax.u32 s1, $0x1;
	[dreg:$0x16] =	wrdreg s12  }
0x20: {  	s18 =	sadd.s32 $0x80800, s24;
	[dreg:$0x17] =	wrdreg s13;
	p1 =	sne.s32 s19, $0x1  }
.Ltmp0:
0x21: {  	s5 =	sadd.s32 $0x81000, s24;
	[dreg:$0x18] =	wrdreg s14;
	(pc) =	sbr.rel @!p1 .LBB2_3-.Ltmp0, $4  }
0x22: {  	s4 =	sadd.s32 $0x81800, s24;
	s8 =	simm.s32 $0xC800;
	[dreg:$0x19] =	wrdreg s16  }
0x23: {  	[dreg:$0x1a] =	wrdreg s18;
	s12 =	simm.s32 $0x80;
	s14 =	simm.s32 $0x800  }
0x24: {  	s13 =	simm.s32 $0x4800;
	s11 =	simm.s32 $0x8800;
	s18 =	simm.s32 $0x1  }
0x25: {  	s1 =	sadd.s32 $0xFFFFFFFF, s19;
	s19 =	simm.s32 $0x2;
	s16 =	simm.s32 $0x3  }
0x26: {  	[tilespmem:s2], [sflag:$0x9] =	stream.linear.gather [hbm4b:s0+s2], $0x80, $0x38;
	[tilespmem:$0x10800] =	vst v63  }
0x27: {  	_ =	swait.ge [sflag:s31], $0x80  }
0x28: {  	[sflag:s31] =	ssyncset.done $0x0  }
0x29: {  	s0 =	rddreg [dreg:$0x7];
	[sflag:s31] =	ssyncadd.s32 $0xFFFFFF80  }
0x2a: {  	[tilespmem:s12], [sflag:$0x9] =	stream.linear.gather [hbm4b:s0+s2], $0x80, $0x38;
	[tilespmem:$0x10800] =	vst v63  }
0x2b: {  	_ =	swait.ge [sflag:s31], $0x80  }
0x2c: {  	[sflag:s31] =	ssyncset.done $0x0  }
0x2d: {  	s0 =	rddreg [dreg:$0x8];
	[sflag:s31] =	ssyncadd.s32 $0xFFFFFF80  }
0x2e: {  	[tilespmem:s29], [sflag:$0x9] =	stream.linear.gather [hbm4b:s0+s2], $0x80, $0x38;
	[tilespmem:$0x10800] =	vst v63  }
0x2f: {  	_ =	swait.ge [sflag:s31], $0x80  }
0x30: {  	[sflag:s31] =	ssyncset.done $0x0  }
0x31: {  	s0 =	rddreg [dreg:$0x9];
	[sflag:s31] =	ssyncadd.s32 $0xFFFFFF80  }
0x32: {  	[tilespmem:s30], [sflag:$0x9] =	stream.linear.gather [hbm4b:s0+s2], $0x80, $0x38;
	[tilespmem:$0x10800] =	vst v63  }
0x33: {  	_ =	swait.ge [sflag:s31], $0x80  }
0x34: {  	[sflag:s31] =	ssyncset.done $0x0  }
0x35: {  	s0 =	rddreg [dreg:$0xa];
	[sflag:s31] =	ssyncadd.s32 $0xFFFFFF80  }
0x36: {  	[tilespmem:s28], [sflag:$0x9] =	stream.linear.gather [hbm4b:s0+s2], $0x80, $0x38;
	[tilespmem:$0x10800] =	vst v63  }
0x37: {  	_ =	swait.ge [sflag:s31], $0x80  }
0x38: {  	[sflag:s31] =	ssyncset.done $0x0  }
0x39: {  	s0 =	rddreg [dreg:$0xb];
	[sflag:s31] =	ssyncadd.s32 $0xFFFFFF80  }
0x3a: {  	[tilespmem:s26], [sflag:$0x9] =	stream.linear.gather [hbm4b:s0+s2], $0x80, $0x38;
	[tilespmem:$0x10800] =	vst v63  }
0x3b: {  	_ =	swait.ge [sflag:s31], $0x80  }
0x3c: {  	[sflag:s31] =	ssyncset.done $0x0  }
0x3d: {  	s0 =	rddreg [dreg:$0xc];
	[sflag:s31] =	ssyncadd.s32 $0xFFFFFF80  }
0x3e: {  	[tilespmem:s25], [sflag:$0x9] =	stream.linear.gather [hbm4b:s0+s2], $0x80, $0x38;
	[tilespmem:$0x10800] =	vst v63  }
0x3f: {  	_ =	swait.ge [sflag:s31], $0x80  }
0x40: {  	[sflag:s31] =	ssyncset.done $0x0  }
0x41: {  	s0 =	rddreg [dreg:$0xd];
	[sflag:s31] =	ssyncadd.s32 $0xFFFFFF80  }
0x42: {  	[tilespmem:s23], [sflag:$0x9] =	stream.linear.gather [hbm4b:s0+s2], $0x80, $0x38;
	[tilespmem:$0x10800] =	vst v63  }
0x43: {  	_ =	swait.ge [sflag:s31], $0x80  }
0x44: {  	[sflag:s31] =	ssyncset.done $0x0  }
0x45: {  	s0 =	rddreg [dreg:$0xe];
	[sflag:s31] =	ssyncadd.s32 $0xFFFFFF80  }
0x46: {  	[tilespmem:s22], [sflag:$0x9] =	stream.linear.gather [hbm4b:s0+s2], $0x80, $0x38;
	[tilespmem:$0x10800] =	vst v63  }
0x47: {  	_ =	swait.ge [sflag:s31], $0x80  }
0x48: {  	[sflag:s31] =	ssyncset.done $0x0  }
0x49: {  	s0 =	rddreg [dreg:$0xf];
	[sflag:s31] =	ssyncadd.s32 $0xFFFFFF80  }
0x4a: {  	[tilespmem:s21], [sflag:$0x9] =	stream.linear.gather [hbm4b:s0+s2], $0x80, $0x38;
	[tilespmem:$0x10800] =	vst v63  }
0x4b: {  	_ =	swait.ge [sflag:s31], $0x80  }
0x4c: {  	[sflag:s31] =	ssyncset.done $0x0  }
0x4d: {  	s0 =	rddreg [dreg:$0x10];
	[sflag:s31] =	ssyncadd.s32 $0xFFFFFF80  }
0x4e: {  	[tilespmem:s20], [sflag:$0x9] =	stream.linear.gather [hbm4b:s0+s2], $0x80, $0x38;
	[tilespmem:$0x10800] =	vst v63  }
0x4f: {  	_ =	swait.ge [sflag:s31], $0x80  }
0x50: {  	[sflag:s31] =	ssyncset.done $0x0  }
0x51: {  	s0 =	rddreg [dreg:$0x11];
	[sflag:s31] =	ssyncadd.s32 $0xFFFFFF80  }
0x52: {  	[tilespmem:s17], [sflag:$0x9] =	stream.linear.gather [hbm4b:s0+s2], $0x80, $0x38;
	[tilespmem:$0x10800] =	vst v63  }
0x53: {  	_ =	swait.ge [sflag:s31], $0x80  }
0x54: {  	[sflag:s31] =	ssyncset.done $0x0  }
0x55: {  	[sflag:s31] =	ssyncadd.s32 $0xFFFFFF80  }
0x56: {  	[tilespmem:s14], [sflag:$0x1] =	stream.indirect.gather [hbm4b:s3+s12], $0x80, s2, s12, $0xb8;
	[tilespmem:$0x10800] =	vst v63  }
0x57: {  	_ = 	snop  }
0x58: {  	[tilespmem:s13], [sflag:$0x2] =	stream.indirect.gather [hbm4b:s3+s12], $0x80, s12, s12, $0xb8;
	[tilespmem:$0x10800] =	vst v63  }
0x59: {  	_ = 	snop  }
0x5a: {  	[tilespmem:s11], [sflag:$0x3] =	stream.indirect.gather [hbm4b:s3+s12], $0x80, s29, s12, $0xb8;
	[tilespmem:$0x10800] =	vst v63  }
0x5b: {  	_ = 	snop  }
0x5c: {  	[tilespmem:s8], [sflag:$0x4] =	stream.indirect.gather [hbm4b:s3+s12], $0x80, s30, s12, $0xb8;
	[tilespmem:$0x10800] =	vst v63  }
0x5d: {  	_ =	swait.ge [sflag:s18], $0x4000  }
0x5e: {  	[sflag:s18] =	ssyncset.done $0x0  }
0x5f: {  	[sflag:s18] =	ssyncadd.s32 $0xFFFFC000  }
0x60: {  	[hbm4b:s24+s2] =	stream.linear.scatter [tilespmem:s14], [sflag:$0x5], $0x4000, $0x38;
	[tilespmem:$0x10800] =	vst v63  }
0x61: {  	_ =	swait.ge [sflag:s6], $0x4000  }
0x62: {  	[sflag:s6] =	ssyncset.done $0x0  }
0x63: {  	[sflag:s6] =	ssyncadd.s32 $0xFFFFC000  }
0x64: {  	[tilespmem:s14], [sflag:$0x1] =	stream.indirect.gather [hbm4b:s3+s12], $0x80, s28, s12, $0xb8;
	[tilespmem:$0x10800] =	vst v63  }
0x65: {  	_ =	swait.ge [sflag:s19], $0x4000  }
0x66: {  	[sflag:s19] =	ssyncset.done $0x0  }
0x67: {  	s0 =	rddreg [dreg:$0x12];
	[sflag:s19] =	ssyncadd.s32 $0xFFFFC000  }
0x68: {  	[hbm4b:s0+s2] =	stream.linear.scatter [tilespmem:s13], [sflag:$0x6], $0x4000, $0x38;
	[tilespmem:$0x10800] =	vst v63  }
0x69: {  	_ =	swait.ge [sflag:s10], $0x4000  }
0x6a: {  	[sflag:s10] =	ssyncset.done $0x0  }
0x6b: {  	[sflag:s10] =	ssyncadd.s32 $0xFFFFC000  }
0x6c: {  	[tilespmem:s13], [sflag:$0x2] =	stream.indirect.gather [hbm4b:s3+s12], $0x80, s26, s12, $0xb8;
	[tilespmem:$0x10800] =	vst v63  }
0x6d: {  	_ =	swait.ge [sflag:s16], $0x4000  }
0x6e: {  	[sflag:s16] =	ssyncset.done $0x0  }
0x6f: {  	s0 =	rddreg [dreg:$0x13];
	[sflag:s16] =	ssyncadd.s32 $0xFFFFC000  }
0x70: {  	[hbm4b:s0+s2] =	stream.linear.scatter [tilespmem:s11], [sflag:$0x7], $0x4000, $0x38;
	[tilespmem:$0x10800] =	vst v63  }
0x71: {  	_ =	swait.ge [sflag:s9], $0x4000  }
0x72: {  	[sflag:s9] =	ssyncset.done $0x0  }
0x73: {  	[sflag:s9] =	ssyncadd.s32 $0xFFFFC000  }
0x74: {  	[tilespmem:s11], [sflag:$0x3] =	stream.indirect.gather [hbm4b:s3+s12], $0x80, s25, s12, $0xb8;
	[tilespmem:$0x10800] =	vst v63  }
0x75: {  	_ =	swait.ge [sflag:s15], $0x4000  }
0x76: {  	[sflag:s15] =	ssyncset.done $0x0  }
0x77: {  	s0 =	rddreg [dreg:$0x14];
	[sflag:s15] =	ssyncadd.s32 $0xFFFFC000  }
0x78: {  	[hbm4b:s0+s2] =	stream.linear.scatter [tilespmem:s8], [sflag:$0x8], $0x4000, $0x38;
	[tilespmem:$0x10800] =	vst v63  }
0x79: {  	_ =	swait.ge [sflag:s7], $0x4000  }
0x7a: {  	[sflag:s7] =	ssyncset.done $0x0  }
0x7b: {  	[sflag:s7] =	ssyncadd.s32 $0xFFFFC000  }
0x7c: {  	[tilespmem:s8], [sflag:$0x4] =	stream.indirect.gather [hbm4b:s3+s12], $0x80, s23, s12, $0xb8;
	[tilespmem:$0x10800] =	vst v63  }
0x7d: {  	_ =	swait.ge [sflag:s18], $0x4000  }
0x7e: {  	[sflag:s18] =	ssyncset.done $0x0  }
0x7f: {  	s0 =	rddreg [dreg:$0x15];
	[sflag:s18] =	ssyncadd.s32 $0xFFFFC000  }
0x80: {  	[hbm4b:s0+s2] =	stream.linear.scatter [tilespmem:s14], [sflag:$0x5], $0x4000, $0x38;
	[tilespmem:$0x10800] =	vst v63  }
0x81: {  	_ =	swait.ge [sflag:s6], $0x4000  }
0x82: {  	[sflag:s6] =	ssyncset.done $0x0  }
0x83: {  	[sflag:s6] =	ssyncadd.s32 $0xFFFFC000  }
0x84: {  	[tilespmem:s14], [sflag:$0x1] =	stream.indirect.gather [hbm4b:s3+s12], $0x80, s22, s12, $0xb8;
	[tilespmem:$0x10800] =	vst v63  }
0x85: {  	_ =	swait.ge [sflag:s19], $0x4000  }
0x86: {  	[sflag:s19] =	ssyncset.done $0x0  }
0x87: {  	s0 =	rddreg [dreg:$0x16];
	[sflag:s19] =	ssyncadd.s32 $0xFFFFC000  }
0x88: {  	[hbm4b:s0+s2] =	stream.linear.scatter [tilespmem:s13], [sflag:$0x6], $0x4000, $0x38;
	[tilespmem:$0x10800] =	vst v63  }
0x89: {  	_ =	swait.ge [sflag:s10], $0x4000  }
0x8a: {  	[sflag:s10] =	ssyncset.done $0x0  }
0x8b: {  	[sflag:s10] =	ssyncadd.s32 $0xFFFFC000  }
0x8c: {  	[tilespmem:s13], [sflag:$0x2] =	stream.indirect.gather [hbm4b:s3+s12], $0x80, s21, s12, $0xb8;
	[tilespmem:$0x10800] =	vst v63  }
0x8d: {  	_ =	swait.ge [sflag:s16], $0x4000  }
0x8e: {  	[sflag:s16] =	ssyncset.done $0x0  }
0x8f: {  	s0 =	rddreg [dreg:$0x17];
	[sflag:s16] =	ssyncadd.s32 $0xFFFFC000  }
0x90: {  	[hbm4b:s0+s2] =	stream.linear.scatter [tilespmem:s11], [sflag:$0x7], $0x4000, $0x38;
	[tilespmem:$0x10800] =	vst v63  }
0x91: {  	_ =	swait.ge [sflag:s9], $0x4000  }
0x92: {  	[sflag:s9] =	ssyncset.done $0x0  }
0x93: {  	[sflag:s9] =	ssyncadd.s32 $0xFFFFC000  }
0x94: {  	[tilespmem:s11], [sflag:$0x3] =	stream.indirect.gather [hbm4b:s3+s12], $0x80, s20, s12, $0xb8;
	[tilespmem:$0x10800] =	vst v63  }
0x95: {  	_ =	swait.ge [sflag:s15], $0x4000  }
0x96: {  	[sflag:s15] =	ssyncset.done $0x0  }
0x97: {  	s0 =	rddreg [dreg:$0x18];
	[sflag:s15] =	ssyncadd.s32 $0xFFFFC000  }
0x98: {  	[hbm4b:s0+s2] =	stream.linear.scatter [tilespmem:s8], [sflag:$0x8], $0x4000, $0x38;
	[tilespmem:$0x10800] =	vst v63  }
0x99: {  	_ =	swait.ge [sflag:s7], $0x4000  }
0x9a: {  	[sflag:s7] =	ssyncset.done $0x0  }
0x9b: {  	[sflag:s7] =	ssyncadd.s32 $0xFFFFC000  }
0x9c: {  	[tilespmem:s8], [sflag:$0x4] =	stream.indirect.gather [hbm4b:s3+s12], $0x80, s17, s12, $0xb8;
	[tilespmem:$0x10800] =	vst v63  }
0x9d: {  	_ =	swait.ge [sflag:s18], $0x4000  }
0x9e: {  	[sflag:s18] =	ssyncset.done $0x0  }
0x9f: {  	s0 =	rddreg [dreg:$0x19];
	[sflag:s18] =	ssyncadd.s32 $0xFFFFC000  }
0xa0: {  	[hbm4b:s0+s2] =	stream.linear.scatter [tilespmem:s14], [sflag:$0x5], $0x4000, $0x38;
	[tilespmem:$0x10800] =	vst v63  }
0xa1: {  	_ =	swait.ge [sflag:s19], $0x4000  }
0xa2: {  	[sflag:s19] =	ssyncset.done $0x0  }
0xa3: {  	s0 =	rddreg [dreg:$0x1a];
	[sflag:s19] =	ssyncadd.s32 $0xFFFFC000  }
0xa4: {  	[hbm4b:s0+s2] =	stream.linear.scatter [tilespmem:s13], [sflag:$0x6], $0x4000, $0x38;
	[tilespmem:$0x10800] =	vst v63  }
0xa5: {  	_ =	swait.ge [sflag:s16], $0x4000  }
0xa6: {  	[sflag:s16] =	ssyncset.done $0x0  }
0xa7: {  	[sflag:s16] =	ssyncadd.s32 $0xFFFFC000  }
0xa8: {  	[hbm4b:s5+s2] =	stream.linear.scatter [tilespmem:s11], [sflag:$0x7], $0x4000, $0x38;
	[tilespmem:$0x10800] =	vst v63  }
0xa9: {  	_ =	swait.ge [sflag:s15], $0x4000  }
0xaa: {  	[sflag:s15] =	ssyncset.done $0x0  }
0xab: {  	[sflag:s15] =	ssyncadd.s32 $0xFFFFC000  }
0xac: {  	[hbm4b:s4+s2] =	stream.linear.scatter [tilespmem:s8], [sflag:$0x8], $0x4000, $0x38;
	[tilespmem:$0x10800] =	vst v63  }
0xad: {  	_ =	swait.ge [sflag:s6], $0x4000  }
0xae: {  	[sflag:s6] =	ssyncset.done $0x0  }
0xaf: {  	[sflag:s6] =	ssyncadd.s32 $0xFFFFC000  }
0xb0: {  	_ =	swait.ge [sflag:s10], $0x4000  }
0xb1: {  	[sflag:s10] =	ssyncset.done $0x0  }
0xb2: {  	p1 =	sne.s32 s1, $0x1;
	[sflag:s10] =	ssyncadd.s32 $0xFFFFC000  }
.Ltmp1:
0xb3: {  	_ =	swait.ge [sflag:s9], $0x4000;
	(pc) =	sbr.rel @!p1 .LBB2_3-.Ltmp1, $4  }
0xb4: {  	[sflag:s9] =	ssyncset.done $0x0  }
0xb5: {  	[sflag:s9] =	ssyncadd.s32 $0xFFFFC000  }
0xb6: {  	s1 =	sadd.s32 $0xFFFFFFFF, s1;
	_ =	swait.ge [sflag:s7], $0x4000  }
0xb7: {  	p0 =	por $0x1, $0x1;
	s0 =	rddreg [dreg:$0x6];
	[sflag:s7] =	ssyncset.done $0x0  }
.LBB2_2:
0xb8: {  	[sflag:s7] =	ssyncadd.s32 $0xFFFFC000  }
0xb9: {  	[tilespmem:s2], [sflag:$0x9] =	stream.linear.gather [hbm4b:s0+s2], $0x80, $0x38;
	[tilespmem:$0x10800] =	vst v63  }
0xba: {  	_ =	swait.ge [sflag:s31], $0x80  }
0xbb: {  	[sflag:s31] =	ssyncset.done $0x0  }
0xbc: {  	s0 =	rddreg [dreg:$0x7];
	[sflag:s31] =	ssyncadd.s32 $0xFFFFFF80  }
0xbd: {  	[tilespmem:s12], [sflag:$0x9] =	stream.linear.gather [hbm4b:s0+s2], $0x80, $0x38;
	[tilespmem:$0x10800] =	vst v63  }
0xbe: {  	_ =	swait.ge [sflag:s31], $0x80  }
0xbf: {  	[sflag:s31] =	ssyncset.done $0x0  }
0xc0: {  	s0 =	rddreg [dreg:$0x8];
	[sflag:s31] =	ssyncadd.s32 $0xFFFFFF80  }
0xc1: {  	[tilespmem:s29], [sflag:$0x9] =	stream.linear.gather [hbm4b:s0+s2], $0x80, $0x38;
	[tilespmem:$0x10800] =	vst v63  }
0xc2: {  	_ =	swait.ge [sflag:s31], $0x80  }
0xc3: {  	[sflag:s31] =	ssyncset.done $0x0  }
0xc4: {  	s0 =	rddreg [dreg:$0x9];
	[sflag:s31] =	ssyncadd.s32 $0xFFFFFF80  }
0xc5: {  	[tilespmem:s30], [sflag:$0x9] =	stream.linear.gather [hbm4b:s0+s2], $0x80, $0x38;
	[tilespmem:$0x10800] =	vst v63  }
0xc6: {  	_ =	swait.ge [sflag:s31], $0x80  }
0xc7: {  	[sflag:s31] =	ssyncset.done $0x0  }
0xc8: {  	s0 =	rddreg [dreg:$0xa];
	[sflag:s31] =	ssyncadd.s32 $0xFFFFFF80  }
0xc9: {  	[tilespmem:s28], [sflag:$0x9] =	stream.linear.gather [hbm4b:s0+s2], $0x80, $0x38;
	[tilespmem:$0x10800] =	vst v63  }
0xca: {  	_ =	swait.ge [sflag:s31], $0x80  }
0xcb: {  	[sflag:s31] =	ssyncset.done $0x0  }
0xcc: {  	s0 =	rddreg [dreg:$0xb];
	[sflag:s31] =	ssyncadd.s32 $0xFFFFFF80  }
0xcd: {  	[tilespmem:s26], [sflag:$0x9] =	stream.linear.gather [hbm4b:s0+s2], $0x80, $0x38;
	[tilespmem:$0x10800] =	vst v63  }
0xce: {  	_ =	swait.ge [sflag:s31], $0x80  }
0xcf: {  	[sflag:s31] =	ssyncset.done $0x0  }
0xd0: {  	s0 =	rddreg [dreg:$0xc];
	[sflag:s31] =	ssyncadd.s32 $0xFFFFFF80  }
0xd1: {  	[tilespmem:s25], [sflag:$0x9] =	stream.linear.gather [hbm4b:s0+s2], $0x80, $0x38;
	[tilespmem:$0x10800] =	vst v63  }
0xd2: {  	_ =	swait.ge [sflag:s31], $0x80  }
0xd3: {  	[sflag:s31] =	ssyncset.done $0x0  }
0xd4: {  	s0 =	rddreg [dreg:$0xd];
	[sflag:s31] =	ssyncadd.s32 $0xFFFFFF80  }
0xd5: {  	[tilespmem:s23], [sflag:$0x9] =	stream.linear.gather [hbm4b:s0+s2], $0x80, $0x38;
	[tilespmem:$0x10800] =	vst v63  }
0xd6: {  	_ =	swait.ge [sflag:s31], $0x80  }
0xd7: {  	[sflag:s31] =	ssyncset.done $0x0  }
0xd8: {  	s0 =	rddreg [dreg:$0xe];
	[sflag:s31] =	ssyncadd.s32 $0xFFFFFF80  }
0xd9: {  	[tilespmem:s22], [sflag:$0x9] =	stream.linear.gather [hbm4b:s0+s2], $0x80, $0x38;
	[tilespmem:$0x10800] =	vst v63  }
0xda: {  	_ =	swait.ge [sflag:s31], $0x80  }
0xdb: {  	[sflag:s31] =	ssyncset.done $0x0  }
0xdc: {  	s0 =	rddreg [dreg:$0xf];
	[sflag:s31] =	ssyncadd.s32 $0xFFFFFF80  }
0xdd: {  	[tilespmem:s21], [sflag:$0x9] =	stream.linear.gather [hbm4b:s0+s2], $0x80, $0x38;
	[tilespmem:$0x10800] =	vst v63  }
0xde: {  	_ =	swait.ge [sflag:s31], $0x80  }
0xdf: {  	[sflag:s31] =	ssyncset.done $0x0  }
0xe0: {  	s0 =	rddreg [dreg:$0x10];
	[sflag:s31] =	ssyncadd.s32 $0xFFFFFF80  }
0xe1: {  	[tilespmem:s20], [sflag:$0x9] =	stream.linear.gather [hbm4b:s0+s2], $0x80, $0x38;
	[tilespmem:$0x10800] =	vst v63  }
0xe2: {  	_ =	swait.ge [sflag:s31], $0x80  }
0xe3: {  	[sflag:s31] =	ssyncset.done $0x0  }
0xe4: {  	s0 =	rddreg [dreg:$0x11];
	[sflag:s31] =	ssyncadd.s32 $0xFFFFFF80  }
0xe5: {  	[tilespmem:s17], [sflag:$0x9] =	stream.linear.gather [hbm4b:s0+s2], $0x80, $0x38;
	[tilespmem:$0x10800] =	vst v63  }
0xe6: {  	_ =	swait.ge [sflag:s31], $0x80  }
0xe7: {  	[sflag:s31] =	ssyncset.done $0x0  }
0xe8: {  	[sflag:s31] =	ssyncadd.s32 $0xFFFFFF80  }
0xe9: {  	[tilespmem:s14], [sflag:$0x1] =	stream.indirect.gather [hbm4b:s3+s12], $0x80, s2, s12, $0xb8;
	[tilespmem:$0x10800] =	vst v63  }
0xea: {  	_ = 	snop  }
0xeb: {  	[tilespmem:s13], [sflag:$0x2] =	stream.indirect.gather [hbm4b:s3+s12], $0x80, s12, s12, $0xb8;
	[tilespmem:$0x10800] =	vst v63  }
0xec: {  	_ = 	snop  }
0xed: {  	[tilespmem:s11], [sflag:$0x3] =	stream.indirect.gather [hbm4b:s3+s12], $0x80, s29, s12, $0xb8;
	[tilespmem:$0x10800] =	vst v63  }
0xee: {  	_ = 	snop  }
0xef: {  	[tilespmem:s8], [sflag:$0x4] =	stream.indirect.gather [hbm4b:s3+s12], $0x80, s30, s12, $0xb8;
	[tilespmem:$0x10800] =	vst v63  }
0xf0: {  	_ =	swait.ge [sflag:s18], $0x4000  }
0xf1: {  	[sflag:s18] =	ssyncset.done $0x0  }
0xf2: {  	[sflag:s18] =	ssyncadd.s32 $0xFFFFC000  }
0xf3: {  	[hbm4b:s24+s2] =	stream.linear.scatter [tilespmem:s14], [sflag:$0x5], $0x4000, $0x38;
	[tilespmem:$0x10800] =	vst v63  }
0xf4: {  	_ =	swait.ge [sflag:s6], $0x4000  }
0xf5: {  	[sflag:s6] =	ssyncset.done $0x0  }
0xf6: {  	[sflag:s6] =	ssyncadd.s32 $0xFFFFC000  }
0xf7: {  	[tilespmem:s14], [sflag:$0x1] =	stream.indirect.gather [hbm4b:s3+s12], $0x80, s28, s12, $0xb8;
	[tilespmem:$0x10800] =	vst v63  }
0xf8: {  	_ =	swait.ge [sflag:s19], $0x4000  }
0xf9: {  	[sflag:s19] =	ssyncset.done $0x0  }
0xfa: {  	s0 =	rddreg [dreg:$0x12];
	[sflag:s19] =	ssyncadd.s32 $0xFFFFC000  }
0xfb: {  	[hbm4b:s0+s2] =	stream.linear.scatter [tilespmem:s13], [sflag:$0x6], $0x4000, $0x38;
	[tilespmem:$0x10800] =	vst v63  }
0xfc: {  	_ =	swait.ge [sflag:s10], $0x4000  }
0xfd: {  	[sflag:s10] =	ssyncset.done $0x0  }
0xfe: {  	[sflag:s10] =	ssyncadd.s32 $0xFFFFC000  }
0xff: {  	[tilespmem:s13], [sflag:$0x2] =	stream.indirect.gather [hbm4b:s3+s12], $0x80, s26, s12, $0xb8;
	[tilespmem:$0x10800] =	vst v63  }
0x100: {  	_ =	swait.ge [sflag:s16], $0x4000  }
0x101: {  	[sflag:s16] =	ssyncset.done $0x0  }
0x102: {  	s0 =	rddreg [dreg:$0x13];
	[sflag:s16] =	ssyncadd.s32 $0xFFFFC000  }
0x103: {  	[hbm4b:s0+s2] =	stream.linear.scatter [tilespmem:s11], [sflag:$0x7], $0x4000, $0x38;
	[tilespmem:$0x10800] =	vst v63  }
0x104: {  	_ =	swait.ge [sflag:s9], $0x4000  }
0x105: {  	[sflag:s9] =	ssyncset.done $0x0  }
0x106: {  	[sflag:s9] =	ssyncadd.s32 $0xFFFFC000  }
0x107: {  	[tilespmem:s11], [sflag:$0x3] =	stream.indirect.gather [hbm4b:s3+s12], $0x80, s25, s12, $0xb8;
	[tilespmem:$0x10800] =	vst v63  }
0x108: {  	_ =	swait.ge [sflag:s15], $0x4000  }
0x109: {  	[sflag:s15] =	ssyncset.done $0x0  }
0x10a: {  	s0 =	rddreg [dreg:$0x14];
	[sflag:s15] =	ssyncadd.s32 $0xFFFFC000  }
0x10b: {  	[hbm4b:s0+s2] =	stream.linear.scatter [tilespmem:s8], [sflag:$0x8], $0x4000, $0x38;
	[tilespmem:$0x10800] =	vst v63  }
0x10c: {  	_ =	swait.ge [sflag:s7], $0x4000  }
0x10d: {  	[sflag:s7] =	ssyncset.done $0x0  }
0x10e: {  	[sflag:s7] =	ssyncadd.s32 $0xFFFFC000  }
0x10f: {  	[tilespmem:s8], [sflag:$0x4] =	stream.indirect.gather [hbm4b:s3+s12], $0x80, s23, s12, $0xb8;
	[tilespmem:$0x10800] =	vst v63  }
0x110: {  	_ =	swait.ge [sflag:s18], $0x4000  }
0x111: {  	[sflag:s18] =	ssyncset.done $0x0  }
0x112: {  	s0 =	rddreg [dreg:$0x15];
	[sflag:s18] =	ssyncadd.s32 $0xFFFFC000  }
0x113: {  	[hbm4b:s0+s2] =	stream.linear.scatter [tilespmem:s14], [sflag:$0x5], $0x4000, $0x38;
	[tilespmem:$0x10800] =	vst v63  }
0x114: {  	_ =	swait.ge [sflag:s6], $0x4000  }
0x115: {  	[sflag:s6] =	ssyncset.done $0x0  }
0x116: {  	[sflag:s6] =	ssyncadd.s32 $0xFFFFC000  }
0x117: {  	[tilespmem:s14], [sflag:$0x1] =	stream.indirect.gather [hbm4b:s3+s12], $0x80, s22, s12, $0xb8;
	[tilespmem:$0x10800] =	vst v63  }
0x118: {  	_ =	swait.ge [sflag:s19], $0x4000  }
0x119: {  	[sflag:s19] =	ssyncset.done $0x0  }
0x11a: {  	s0 =	rddreg [dreg:$0x16];
	[sflag:s19] =	ssyncadd.s32 $0xFFFFC000  }
0x11b: {  	[hbm4b:s0+s2] =	stream.linear.scatter [tilespmem:s13], [sflag:$0x6], $0x4000, $0x38;
	[tilespmem:$0x10800] =	vst v63  }
0x11c: {  	_ =	swait.ge [sflag:s10], $0x4000  }
0x11d: {  	[sflag:s10] =	ssyncset.done $0x0  }
0x11e: {  	[sflag:s10] =	ssyncadd.s32 $0xFFFFC000  }
0x11f: {  	[tilespmem:s13], [sflag:$0x2] =	stream.indirect.gather [hbm4b:s3+s12], $0x80, s21, s12, $0xb8;
	[tilespmem:$0x10800] =	vst v63  }
0x120: {  	_ =	swait.ge [sflag:s16], $0x4000  }
0x121: {  	[sflag:s16] =	ssyncset.done $0x0  }
0x122: {  	s0 =	rddreg [dreg:$0x17];
	[sflag:s16] =	ssyncadd.s32 $0xFFFFC000  }
0x123: {  	[hbm4b:s0+s2] =	stream.linear.scatter [tilespmem:s11], [sflag:$0x7], $0x4000, $0x38;
	[tilespmem:$0x10800] =	vst v63  }
0x124: {  	_ =	swait.ge [sflag:s9], $0x4000  }
0x125: {  	[sflag:s9] =	ssyncset.done $0x0  }
0x126: {  	[sflag:s9] =	ssyncadd.s32 $0xFFFFC000  }
0x127: {  	[tilespmem:s11], [sflag:$0x3] =	stream.indirect.gather [hbm4b:s3+s12], $0x80, s20, s12, $0xb8;
	[tilespmem:$0x10800] =	vst v63  }
0x128: {  	_ =	swait.ge [sflag:s15], $0x4000  }
0x129: {  	[sflag:s15] =	ssyncset.done $0x0  }
0x12a: {  	s0 =	rddreg [dreg:$0x18];
	[sflag:s15] =	ssyncadd.s32 $0xFFFFC000  }
0x12b: {  	[hbm4b:s0+s2] =	stream.linear.scatter [tilespmem:s8], [sflag:$0x8], $0x4000, $0x38;
	[tilespmem:$0x10800] =	vst v63  }
0x12c: {  	_ =	swait.ge [sflag:s7], $0x4000  }
0x12d: {  	[sflag:s7] =	ssyncset.done $0x0  }
0x12e: {  	[sflag:s7] =	ssyncadd.s32 $0xFFFFC000  }
0x12f: {  	[tilespmem:s8], [sflag:$0x4] =	stream.indirect.gather [hbm4b:s3+s12], $0x80, s17, s12, $0xb8;
	[tilespmem:$0x10800] =	vst v63  }
0x130: {  	_ =	swait.ge [sflag:s18], $0x4000  }
0x131: {  	[sflag:s18] =	ssyncset.done $0x0  }
0x132: {  	s0 =	rddreg [dreg:$0x19];
	[sflag:s18] =	ssyncadd.s32 $0xFFFFC000  }
0x133: {  	[hbm4b:s0+s2] =	stream.linear.scatter [tilespmem:s14], [sflag:$0x5], $0x4000, $0x38;
	[tilespmem:$0x10800] =	vst v63  }
0x134: {  	_ =	swait.ge [sflag:s19], $0x4000  }
0x135: {  	[sflag:s19] =	ssyncset.done $0x0  }
0x136: {  	s0 =	rddreg [dreg:$0x1a];
	[sflag:s19] =	ssyncadd.s32 $0xFFFFC000  }
0x137: {  	[hbm4b:s0+s2] =	stream.linear.scatter [tilespmem:s13], [sflag:$0x6], $0x4000, $0x38;
	[tilespmem:$0x10800] =	vst v63  }
0x138: {  	_ =	swait.ge [sflag:s16], $0x4000  }
0x139: {  	[sflag:s16] =	ssyncset.done $0x0  }
0x13a: {  	[sflag:s16] =	ssyncadd.s32 $0xFFFFC000  }
0x13b: {  	[hbm4b:s5+s2] =	stream.linear.scatter [tilespmem:s11], [sflag:$0x7], $0x4000, $0x38;
	[tilespmem:$0x10800] =	vst v63  }
0x13c: {  	_ =	swait.ge [sflag:s15], $0x4000  }
0x13d: {  	[sflag:s15] =	ssyncset.done $0x0  }
0x13e: {  	[sflag:s15] =	ssyncadd.s32 $0xFFFFC000  }
0x13f: {  	[hbm4b:s4+s2] =	stream.linear.scatter [tilespmem:s8], [sflag:$0x8], $0x4000, $0x38;
	[tilespmem:$0x10800] =	vst v63  }
0x140: {  	_ =	swait.ge [sflag:s6], $0x4000  }
0x141: {  	[sflag:s6] =	ssyncset.done $0x0  }
0x142: {  	[sflag:s6] =	ssyncadd.s32 $0xFFFFC000  }
0x143: {  	_ =	swait.ge [sflag:s10], $0x4000  }
0x144: {  	[sflag:s10] =	ssyncset.done $0x0  }
0x145: {  	p1 =	sne.s32 s1, $0x1;
	[sflag:s10] =	ssyncadd.s32 $0xFFFFC000  }
.Ltmp2:
0x146: {  	_ =	swait.ge [sflag:s9], $0x4000;
	(pc) =	sbr.rel @p1 .LBB2_2-.Ltmp2, $4  }
0x147: {  	[sflag:s9] =	ssyncset.done $0x0  }
0x148: {  	[sflag:s9] =	ssyncadd.s32 $0xFFFFC000  }
0x149: {  	_ =	swait.ge [sflag:s7], $0x4000  }
0x14a: {  	s1 =	sadd.s32 $0xFFFFFFFF, s1;
	s0 =	rddreg [dreg:$0x6];
	[sflag:s7] =	ssyncset.done $0x0  }
.LBB2_3:
0x14b: {  	[sflag:s7] =	ssyncadd.s32 @p0 $0xFFFFC000  }
0x14c: {  	[tilespmem:s2], [sflag:$0x9] =	stream.linear.gather [hbm4b:s0+s2], $0x80, $0x38;
	[tilespmem:$0x10800] =	vst v63  }
0x14d: {  	_ =	swait.ge [sflag:s31], $0x80  }
0x14e: {  	[sflag:s31] =	ssyncset.done $0x0  }
0x14f: {  	s1 =	rddreg [dreg:$0x7];
	[sflag:s31] =	ssyncadd.s32 $0xFFFFFF80  }
0x150: {  	[tilespmem:s12], [sflag:$0x9] =	stream.linear.gather [hbm4b:s1+s2], $0x80, $0x38;
	[tilespmem:$0x10800] =	vst v63  }
0x151: {  	_ =	swait.ge [sflag:s31], $0x80  }
0x152: {  	[sflag:s31] =	ssyncset.done $0x0  }
0x153: {  	s1 =	rddreg [dreg:$0x8];
	[sflag:s31] =	ssyncadd.s32 $0xFFFFFF80  }
0x154: {  	[tilespmem:s29], [sflag:$0x9] =	stream.linear.gather [hbm4b:s1+s2], $0x80, $0x38;
	[tilespmem:$0x10800] =	vst v63  }
0x155: {  	_ =	swait.ge [sflag:s31], $0x80  }
0x156: {  	[sflag:s31] =	ssyncset.done $0x0  }
0x157: {  	s1 =	rddreg [dreg:$0x9];
	[sflag:s31] =	ssyncadd.s32 $0xFFFFFF80  }
0x158: {  	[tilespmem:s30], [sflag:$0x9] =	stream.linear.gather [hbm4b:s1+s2], $0x80, $0x38;
	[tilespmem:$0x10800] =	vst v63  }
0x159: {  	_ =	swait.ge [sflag:s31], $0x80  }
0x15a: {  	[sflag:s31] =	ssyncset.done $0x0  }
0x15b: {  	s1 =	rddreg [dreg:$0xa];
	[sflag:s31] =	ssyncadd.s32 $0xFFFFFF80  }
0x15c: {  	[tilespmem:s28], [sflag:$0x9] =	stream.linear.gather [hbm4b:s1+s2], $0x80, $0x38;
	[tilespmem:$0x10800] =	vst v63  }
0x15d: {  	_ =	swait.ge [sflag:s31], $0x80  }
0x15e: {  	[sflag:s31] =	ssyncset.done $0x0  }
0x15f: {  	s1 =	rddreg [dreg:$0xb];
	[sflag:s31] =	ssyncadd.s32 $0xFFFFFF80  }
0x160: {  	[tilespmem:s26], [sflag:$0x9] =	stream.linear.gather [hbm4b:s1+s2], $0x80, $0x38;
	[tilespmem:$0x10800] =	vst v63  }
0x161: {  	_ =	swait.ge [sflag:s31], $0x80  }
0x162: {  	[sflag:s31] =	ssyncset.done $0x0  }
0x163: {  	s1 =	rddreg [dreg:$0xc];
	[sflag:s31] =	ssyncadd.s32 $0xFFFFFF80  }
0x164: {  	[tilespmem:s25], [sflag:$0x9] =	stream.linear.gather [hbm4b:s1+s2], $0x80, $0x38;
	[tilespmem:$0x10800] =	vst v63  }
0x165: {  	_ =	swait.ge [sflag:s31], $0x80  }
0x166: {  	[sflag:s31] =	ssyncset.done $0x0  }
0x167: {  	s1 =	rddreg [dreg:$0xd];
	[sflag:s31] =	ssyncadd.s32 $0xFFFFFF80  }
0x168: {  	[tilespmem:s23], [sflag:$0x9] =	stream.linear.gather [hbm4b:s1+s2], $0x80, $0x38;
	[tilespmem:$0x10800] =	vst v63  }
0x169: {  	_ =	swait.ge [sflag:s31], $0x80  }
0x16a: {  	[sflag:s31] =	ssyncset.done $0x0  }
0x16b: {  	s1 =	rddreg [dreg:$0xe];
	[sflag:s31] =	ssyncadd.s32 $0xFFFFFF80  }
0x16c: {  	[tilespmem:s22], [sflag:$0x9] =	stream.linear.gather [hbm4b:s1+s2], $0x80, $0x38;
	[tilespmem:$0x10800] =	vst v63  }
0x16d: {  	_ =	swait.ge [sflag:s31], $0x80  }
0x16e: {  	[sflag:s31] =	ssyncset.done $0x0  }
0x16f: {  	s1 =	rddreg [dreg:$0xf];
	[sflag:s31] =	ssyncadd.s32 $0xFFFFFF80  }
0x170: {  	[tilespmem:s21], [sflag:$0x9] =	stream.linear.gather [hbm4b:s1+s2], $0x80, $0x38;
	[tilespmem:$0x10800] =	vst v63  }
0x171: {  	_ =	swait.ge [sflag:s31], $0x80  }
0x172: {  	[sflag:s31] =	ssyncset.done $0x0  }
0x173: {  	s1 =	rddreg [dreg:$0x10];
	[sflag:s31] =	ssyncadd.s32 $0xFFFFFF80  }
0x174: {  	[tilespmem:s20], [sflag:$0x9] =	stream.linear.gather [hbm4b:s1+s2], $0x80, $0x38;
	[tilespmem:$0x10800] =	vst v63  }
0x175: {  	_ =	swait.ge [sflag:s31], $0x80  }
0x176: {  	[sflag:s31] =	ssyncset.done $0x0  }
0x177: {  	s1 =	rddreg [dreg:$0x11];
	[sflag:s31] =	ssyncadd.s32 $0xFFFFFF80  }
0x178: {  	[tilespmem:s17], [sflag:$0x9] =	stream.linear.gather [hbm4b:s1+s2], $0x80, $0x38;
	[tilespmem:$0x10800] =	vst v63  }
0x179: {  	_ =	swait.ge [sflag:s31], $0x80  }
0x17a: {  	[sflag:s31] =	ssyncset.done $0x0  }
0x17b: {  	[sflag:s31] =	ssyncadd.s32 $0xFFFFFF80  }
0x17c: {  	[tilespmem:s14], [sflag:$0x1] =	stream.indirect.gather [hbm4b:s3+s12], $0x80, s2, s12, $0xb8;
	[tilespmem:$0x10800] =	vst v63  }
0x17d: {  	_ = 	snop  }
0x17e: {  	[tilespmem:s13], [sflag:$0x2] =	stream.indirect.gather [hbm4b:s3+s12], $0x80, s12, s12, $0xb8;
	[tilespmem:$0x10800] =	vst v63  }
0x17f: {  	_ = 	snop  }
0x180: {  	[tilespmem:s11], [sflag:$0x3] =	stream.indirect.gather [hbm4b:s3+s12], $0x80, s29, s12, $0xb8;
	[tilespmem:$0x10800] =	vst v63  }
0x181: {  	_ = 	snop  }
0x182: {  	[tilespmem:s8], [sflag:$0x4] =	stream.indirect.gather [hbm4b:s3+s12], $0x80, s30, s12, $0xb8;
	[tilespmem:$0x10800] =	vst v63  }
0x183: {  	_ =	swait.ge [sflag:s18], $0x4000  }
0x184: {  	[sflag:s18] =	ssyncset.done $0x0  }
0x185: {  	[sflag:s18] =	ssyncadd.s32 $0xFFFFC000  }
0x186: {  	[hbm4b:s24+s2] =	stream.linear.scatter [tilespmem:s14], [sflag:$0x5], $0x4000, $0x38;
	[tilespmem:$0x10800] =	vst v63  }
0x187: {  	_ =	swait.ge [sflag:s6], $0x4000  }
0x188: {  	[sflag:s6] =	ssyncset.done $0x0  }
0x189: {  	[sflag:s6] =	ssyncadd.s32 $0xFFFFC000  }
0x18a: {  	[tilespmem:s14], [sflag:$0x1] =	stream.indirect.gather [hbm4b:s3+s12], $0x80, s28, s12, $0xb8;
	[tilespmem:$0x10800] =	vst v63  }
0x18b: {  	_ =	swait.ge [sflag:s19], $0x4000  }
0x18c: {  	[sflag:s19] =	ssyncset.done $0x0  }
0x18d: {  	s30 =	rddreg [dreg:$0x12];
	[sflag:s19] =	ssyncadd.s32 $0xFFFFC000  }
0x18e: {  	[hbm4b:s30+s2] =	stream.linear.scatter [tilespmem:s13], [sflag:$0x6], $0x4000, $0x38;
	[tilespmem:$0x10800] =	vst v63  }
0x18f: {  	_ =	swait.ge [sflag:s10], $0x4000  }
0x190: {  	[sflag:s10] =	ssyncset.done $0x0  }
0x191: {  	[sflag:s10] =	ssyncadd.s32 $0xFFFFC000  }
0x192: {  	[tilespmem:s13], [sflag:$0x2] =	stream.indirect.gather [hbm4b:s3+s12], $0x80, s26, s12, $0xb8;
	[tilespmem:$0x10800] =	vst v63  }
0x193: {  	_ =	swait.ge [sflag:s16], $0x4000  }
0x194: {  	[sflag:s16] =	ssyncset.done $0x0  }
0x195: {  	s31 =	rddreg [dreg:$0x13];
	[sflag:s16] =	ssyncadd.s32 $0xFFFFC000  }
0x196: {  	[hbm4b:s31+s2] =	stream.linear.scatter [tilespmem:s11], [sflag:$0x7], $0x4000, $0x38;
	[tilespmem:$0x10800] =	vst v63  }
0x197: {  	_ =	swait.ge [sflag:s9], $0x4000  }
0x198: {  	[sflag:s9] =	ssyncset.done $0x0  }
0x199: {  	[sflag:s9] =	ssyncadd.s32 $0xFFFFC000  }
0x19a: {  	[tilespmem:s11], [sflag:$0x3] =	stream.indirect.gather [hbm4b:s3+s12], $0x80, s25, s12, $0xb8;
	[tilespmem:$0x10800] =	vst v63  }
0x19b: {  	_ =	swait.ge [sflag:s15], $0x4000  }
0x19c: {  	[sflag:s15] =	ssyncset.done $0x0  }
0x19d: {  	s1 =	rddreg [dreg:$0x14];
	[sflag:s15] =	ssyncadd.s32 $0xFFFFC000  }
0x19e: {  	[hbm4b:s1+s2] =	stream.linear.scatter [tilespmem:s8], [sflag:$0x8], $0x4000, $0x38;
	[tilespmem:$0x10800] =	vst v63  }
0x19f: {  	_ =	swait.ge [sflag:s7], $0x4000  }
0x1a0: {  	[sflag:s7] =	ssyncset.done $0x0  }
0x1a1: {  	[sflag:s7] =	ssyncadd.s32 $0xFFFFC000  }
0x1a2: {  	[tilespmem:s8], [sflag:$0x4] =	stream.indirect.gather [hbm4b:s3+s12], $0x80, s23, s12, $0xb8;
	[tilespmem:$0x10800] =	vst v63  }
0x1a3: {  	_ =	swait.ge [sflag:s18], $0x4000  }
0x1a4: {  	[sflag:s18] =	ssyncset.done $0x0  }
0x1a5: {  	s24 =	rddreg [dreg:$0x15];
	[sflag:s18] =	ssyncadd.s32 $0xFFFFC000  }
0x1a6: {  	[hbm4b:s24+s2] =	stream.linear.scatter [tilespmem:s14], [sflag:$0x5], $0x4000, $0x38;
	[tilespmem:$0x10800] =	vst v63  }
0x1a7: {  	_ =	swait.ge [sflag:s6], $0x4000  }
0x1a8: {  	[sflag:s6] =	ssyncset.done $0x0  }
0x1a9: {  	[sflag:s6] =	ssyncadd.s32 $0xFFFFC000  }
0x1aa: {  	[tilespmem:s14], [sflag:$0x1] =	stream.indirect.gather [hbm4b:s3+s12], $0x80, s22, s12, $0xb8;
	[tilespmem:$0x10800] =	vst v63  }
0x1ab: {  	_ =	swait.ge [sflag:s19], $0x4000  }
0x1ac: {  	[sflag:s19] =	ssyncset.done $0x0  }
0x1ad: {  	s25 =	rddreg [dreg:$0x16];
	[sflag:s19] =	ssyncadd.s32 $0xFFFFC000  }
0x1ae: {  	[hbm4b:s25+s2] =	stream.linear.scatter [tilespmem:s13], [sflag:$0x6], $0x4000, $0x38;
	[tilespmem:$0x10800] =	vst v63  }
0x1af: {  	_ =	swait.ge [sflag:s10], $0x4000  }
0x1b0: {  	[sflag:s10] =	ssyncset.done $0x0  }
0x1b1: {  	[sflag:s10] =	ssyncadd.s32 $0xFFFFC000  }
0x1b2: {  	[tilespmem:s13], [sflag:$0x2] =	stream.indirect.gather [hbm4b:s3+s12], $0x80, s21, s12, $0xb8;
	[tilespmem:$0x10800] =	vst v63  }
0x1b3: {  	_ =	swait.ge [sflag:s16], $0x4000  }
0x1b4: {  	[sflag:s16] =	ssyncset.done $0x0  }
0x1b5: {  	s26 =	rddreg [dreg:$0x17];
	[sflag:s16] =	ssyncadd.s32 $0xFFFFC000  }
0x1b6: {  	[hbm4b:s26+s2] =	stream.linear.scatter [tilespmem:s11], [sflag:$0x7], $0x4000, $0x38;
	[tilespmem:$0x10800] =	vst v63  }
0x1b7: {  	_ =	swait.ge [sflag:s9], $0x4000  }
0x1b8: {  	[sflag:s9] =	ssyncset.done $0x0  }
0x1b9: {  	[sflag:s9] =	ssyncadd.s32 $0xFFFFC000  }
0x1ba: {  	[tilespmem:s11], [sflag:$0x3] =	stream.indirect.gather [hbm4b:s3+s12], $0x80, s20, s12, $0xb8;
	[tilespmem:$0x10800] =	vst v63  }
0x1bb: {  	_ =	swait.ge [sflag:s15], $0x4000  }
0x1bc: {  	[sflag:s15] =	ssyncset.done $0x0  }
0x1bd: {  	s28 =	rddreg [dreg:$0x18];
	[sflag:s15] =	ssyncadd.s32 $0xFFFFC000  }
0x1be: {  	[hbm4b:s28+s2] =	stream.linear.scatter [tilespmem:s8], [sflag:$0x8], $0x4000, $0x38;
	[tilespmem:$0x10800] =	vst v63  }
0x1bf: {  	_ =	swait.ge [sflag:s7], $0x4000  }
0x1c0: {  	[sflag:s7] =	ssyncset.done $0x0  }
0x1c1: {  	[sflag:s7] =	ssyncadd.s32 $0xFFFFC000  }
0x1c2: {  	[tilespmem:s8], [sflag:$0x4] =	stream.indirect.gather [hbm4b:s3+s12], $0x80, s17, s12, $0xb8;
	[tilespmem:$0x10800] =	vst v63  }
0x1c3: {  	_ =	swait.ge [sflag:s18], $0x4000  }
0x1c4: {  	[sflag:s18] =	ssyncset.done $0x0  }
0x1c5: {  	s29 =	rddreg [dreg:$0x19];
	[sflag:s18] =	ssyncadd.s32 $0xFFFFC000  }
0x1c6: {  	[hbm4b:s29+s2] =	stream.linear.scatter [tilespmem:s14], [sflag:$0x5], $0x4000, $0x38;
	[tilespmem:$0x10800] =	vst v63  }
0x1c7: {  	_ =	swait.ge [sflag:s19], $0x4000  }
0x1c8: {  	[sflag:s19] =	ssyncset.done $0x0  }
0x1c9: {  	s30 =	rddreg [dreg:$0x1a];
	[sflag:s19] =	ssyncadd.s32 $0xFFFFC000  }
0x1ca: {  	[hbm4b:s30+s2] =	stream.linear.scatter [tilespmem:s13], [sflag:$0x6], $0x4000, $0x38;
	[tilespmem:$0x10800] =	vst v63  }
0x1cb: {  	_ =	swait.ge [sflag:s16], $0x4000  }
0x1cc: {  	[sflag:s16] =	ssyncset.done $0x0  }
0x1cd: {  	[sflag:s16] =	ssyncadd.s32 $0xFFFFC000  }
0x1ce: {  	[hbm4b:s5+s2] =	stream.linear.scatter [tilespmem:s11], [sflag:$0x7], $0x4000, $0x38;
	[tilespmem:$0x10800] =	vst v63  }
0x1cf: {  	_ =	swait.ge [sflag:s15], $0x4000  }
0x1d0: {  	[sflag:s15] =	ssyncset.done $0x0  }
0x1d1: {  	[sflag:s15] =	ssyncadd.s32 $0xFFFFC000  }
0x1d2: {  	[hbm4b:s4+s2] =	stream.linear.scatter [tilespmem:s8], [sflag:$0x8], $0x4000, $0x38;
	[tilespmem:$0x10800] =	vst v63  }
0x1d3: {  	_ =	swait.ge [sflag:s6], $0x4000  }
0x1d4: {  	[sflag:s6] =	ssyncset.done $0x0  }
0x1d5: {  	[sflag:s6] =	ssyncadd.s32 $0xFFFFC000  }
0x1d6: {  	_ =	swait.ge [sflag:s10], $0x4000  }
0x1d7: {  	[sflag:s10] =	ssyncset.done $0x0  }
0x1d8: {  	[sflag:s10] =	ssyncadd.s32 $0xFFFFC000  }
0x1d9: {  	_ =	swait.ge [sflag:s9], $0x4000  }
0x1da: {  	[sflag:s9] =	ssyncset.done $0x0  }
0x1db: {  	[sflag:s9] =	ssyncadd.s32 $0xFFFFC000  }
0x1dc: {  	_ =	swait.ge [sflag:s7], $0x4000  }
0x1dd: {  	[sflag:s7] =	ssyncset.done $0x0  }
0x1de: {  	[sflag:s7] =	ssyncadd.s32 $0xFFFFC000  }
0x1df: {  	_ =	sfence.sel $0x180000  }
0x1e0: {  	[bflag:$0x0] =	sbarrier.arrive $0xFFFF  }
0x1e1: {  	_ =	strace $0x90000047  }
0x1e2: {  	s31 =	stileid.u32;
	[bflag:$0x2] =	sbarrier.arrive $0xFFFF  }
0x1e3: {  	p0 =	sne.s32 s31, $0x0;
	s0 =	rddreg [dreg:$0x5]  }
0x1e4: {  	s0 =	sadd.s32 @!p0 $0x100000, s0  }
0x1e5: {  	[sflag:s0] =	ssyncadd.tile.s32 @!p0 $0x1;
	_ =	shalt  }
.Lfunc_end2:
_tile_overlayer_lowered:
.L_overlay_start_2:
0x1e6: {  	(tag) =	ssettag $0x2  }
0x1e7: {  	s0 =	rddreg [dreg:$0x0];
	s2 =	stileid.u32  }
0x1e8: {  	s1 =	rddreg [dreg:$0x1];
	p0 =	sne.s32 s2, $0x0  }
0x1e9: {  	s3 =	rddreg [dreg:$0x2];
	[bflag:$0x3] =	sbarrier.arrive $0xFFFF;
	s2 =	simm.s32 @!p0 $0x1C09  }
0x1ea: {  	[timem:s3], [sflag:s2] =	dma.local @!p0 [hbm:s0], s1  }
0x1eb: {  	s0 =	simm.s32 @!p0 $0x9  }
0x1ec: {  	_ =	swait.ge @!p0 [sflag:s0], s1  }
0x1ed: {  	s1 =	ssub.s32 @!p0 $0x0, s1;
	[sflag:s0] =	ssyncset.done @!p0 $0x0  }
0x1ee: {  	[sflag:s0] =	ssyncadd.s32 @!p0 s1  }
0x1ef: {  	[bflag:$0x3] =	sbarrier.arrive $0xFFFF  }
0x1f0: {  	_ =	shalt  }

</sc_bundles>
